<compile_context>
chip_gen: v7x
topology: tpu7x:2x2x1
jax: 0.10.2.dev20260603
libtpu: 0.0.44.dev20260713+nightly
codegen_flags: <defaults>
</compile_context>

<pallas_src>
import jax
import jax.numpy as jnp
import numpy as np
from jax import lax
from jax.experimental import pallas as pl
from jax.experimental.pallas import tpu as pltpu
from jax.experimental.pallas import tpu_sc as plsc

B = 16384
F = 26
V = 100000
D = 32
NUM = 13
EPS = 1e-5

NW = 32
BPW = B // NW
NT = BPW // 8
SLOTS = 224
RPW = NT * SLOTS
R = NW * RPW
IR = RPW // 128
CH = 1024
NCH = RPW // CH

GF = 7
VC4 = 8192
VSH = VC4.bit_length() - 1
DST = -(-V // VC4)
TROWS = GF * DST * VC4 * 4


def _slot_tables():
    t = np.arange(RPW)
    bt, r = t // SLOTS, t % SLOTS
    jt, bb, ff = r // 32, (r // 4) % 8, r % 4
    j = 4 * jt + ff
    b = bt * 8 + bb
    valid = j < F
    pos = np.where(valid, b * F + np.minimum(j, F - 1), 0)
    voff = np.where(valid, (j >> 2) * (DST * VC4 * 4) + (j & 3), 0)
    pos_all = pos[None, :] + (np.arange(NW) * (BPW * F))[:, None]
    return (pos_all.reshape(NW, IR, 128).astype(np.int32),
            voff.reshape(IR, 128).astype(np.int32))


_POS, _VOFF = _slot_tables()


def _gather_body(tab_hbm, xcat_hbm, pos_hbm, voff_hbm,
                 out_hbm, pos_v, idx_v, voff_v, rows_v, rows2_v, gsem, gsem2):
    wid = lax.axis_index("s") * 2 + lax.axis_index("c")

    pltpu.sync_copy(pos_hbm.at[wid], pos_v)
    pltpu.sync_copy(voff_hbm, voff_v)

    def pchunk(c, carry):
        copies = []
        for jj in range(8):
            r = c * 8 + jj
            cp = pltpu.make_async_copy(
                xcat_hbm.at[pos_v.at[r]], idx_v.at[r], gsem)
            cp.start()
            copies.append(cp)
        for cp in copies:
            cp.wait()
        return carry

    lax.fori_loop(0, NCH, pchunk, 0)

    def fix_row(r, carry):
        for cc in range(8):
            sl = pl.ds(cc * 16, 16)
            rv = idx_v[r, sl]
            scr = lax.shift_left(lax.shift_right_logical(rv, VSH), VSH + 2) + \
                lax.shift_left(rv & (VC4 - 1), 2)
            idx_v[r, sl] = scr + voff_v[r, sl]
        return carry

    lax.fori_loop(0, IR, fix_row, 0)

    base = wid * RPW

    def g8(c, buf, sem, go):
        for jj in range(8):
            cp = pltpu.make_async_copy(
                tab_hbm.at[idx_v.at[c * 8 + jj]],
                buf.at[pl.ds(jj * 128, 128)],
                sem,
            )
            if go:
                cp.start()
            else:
                cp.wait()

    g8(0, rows_v, gsem, True)

    def chunk2(c2, carry):
        c0 = 2 * c2
        g8(c0, rows_v, gsem, False)
        g8(c0 + 1, rows2_v, gsem2, True)
        pltpu.sync_copy(rows_v, out_hbm.at[pl.ds(base + c0 * CH, CH)])
        g8(c0 + 1, rows2_v, gsem2, False)

        @pl.when(c2 < NCH // 2 - 1)
        def _():
            g8(c0 + 2, rows_v, gsem, True)

        pltpu.sync_copy(rows2_v, out_hbm.at[pl.ds(base + (c0 + 1) * CH, CH)])
        return carry

    lax.fori_loop(0, NCH // 2, chunk2, 0)


def _sc_gather(tab2, xcat_flat, pos, voff):
    mesh = plsc.VectorSubcoreMesh(core_axis_name="c", subcore_axis_name="s")
    k = pl.kernel(
        _gather_body,
        out_type=jax.ShapeDtypeStruct((R, D), jnp.float32),
        mesh=mesh,
        scratch_types=[
            pltpu.VMEM((IR, 128), jnp.int32),
            pltpu.VMEM((IR, 128), jnp.int32),
            pltpu.VMEM((IR, 128), jnp.int32),
            pltpu.VMEM((CH, D), jnp.float32),
            pltpu.VMEM((CH, D), jnp.float32),
            pltpu.SemaphoreType.DMA,
            pltpu.SemaphoreType.DMA,
        ],
        compiler_params=pltpu.CompilerParams(use_tc_tiling_on_sc=False),
    )
    return k(tab2, xcat_flat, pos, voff)


def _detile_body(in_ref, out_ref):
    x = in_ref[...]
    out_ref[...] = x.reshape(128, VC4).T


def _tc_detile(tab_t):
    return pl.pallas_call(
        _detile_body,
        grid=(GF, DST),
        in_specs=[pl.BlockSpec((4, D, VC4), lambda g, s: (g, 0, s))],
        out_specs=pl.BlockSpec((VC4, 128), lambda g, s: (g * DST + s, 0)),
        out_shape=jax.ShapeDtypeStruct((TROWS * D // 128, 128), jnp.float32),
    )(tab_t)


BT = 1024


def _mlp_body(x_ref, num_ref, w1_ref, w1n_ref, w2_ref, par_ref, out_ref):
    p = par_ref[...]
    b1 = p[0:1, :]
    a1 = p[1:2, :] * lax.rsqrt(p[4:5, :] + EPS)
    c1 = p[2:3, :] - p[3:4, :] * a1
    b2 = p[5:6, :]
    a2 = p[6:7, :] * lax.rsqrt(p[9:10, :] + EPS)
    c2 = p[7:8, :] - p[8:9, :] * a2
    w3 = p[10:11, :]
    b3 = p[11:12, 0:1]

    x = x_ref[...]
    z = jnp.dot(num_ref[...], w1n_ref[...], preferred_element_type=jnp.float32)
    for jt in range(7):
        xj = x[:, jt].reshape(BT, 128)
        z = z + jnp.dot(xj, w1_ref[jt], preferred_element_type=jnp.float32)
    h = jnp.maximum(z + b1, 0.0) * a1 + c1
    z2 = jnp.dot(h, w2_ref[...], preferred_element_type=jnp.float32)
    h2 = jnp.maximum(z2 + b2, 0.0) * a2 + c2
    z3 = jnp.sum(h2 * w3, axis=1, keepdims=True) + b3
    out_ref[...] = jax.nn.sigmoid(z3)


def _tc_mlp(x4, xnum_p, w1_st, w1n_t, w2_t, params):
    return pl.pallas_call(
        _mlp_body,
        grid=(B // BT,),
        in_specs=[
            pl.BlockSpec((BT // 8, 7, 8, 128), lambda i: (i, 0, 0, 0)),
            pl.BlockSpec((BT, 128), lambda i: (i, 0)),
            pl.BlockSpec((7, 128, 64), lambda i: (0, 0, 0)),
            pl.BlockSpec((128, 64), lambda i: (0, 0)),
            pl.BlockSpec((64, 64), lambda i: (0, 0)),
            pl.BlockSpec((16, 64), lambda i: (0, 0)),
        ],
        out_specs=pl.BlockSpec((BT, 1), lambda i: (i, 0)),
        out_shape=jax.ShapeDtypeStruct((B, 1), jnp.float32),
    )(x4, xnum_p, w1_st, w1n_t, w2_t, params)


def kernel(X_cat, X_num, tables, W1, b1, g1, be1, rm1, rv1,
           W2, b2, g2, be2, rm2, rv2, W3, b3):
    tab_t = jnp.transpose(tables, (0, 2, 1))
    tab2 = _tc_detile(tab_t).reshape(TROWS, D)
    xcat_flat = X_cat.reshape(B * F)
    pos = jnp.asarray(_POS)
    voff = jnp.asarray(_VOFF)

    gathered = _sc_gather(tab2, xcat_flat, pos, voff)
    x4 = gathered.reshape(B // 8, 7, 8, 128)

    xnum_p = jnp.pad(X_num, ((0, 0), (0, 128 - NUM)))
    w1_st = jnp.pad(W1[:, : F * D].T, ((0, 64), (0, 0))).reshape(7, 128, 64)
    w1n_t = jnp.pad(W1[:, F * D:], ((0, 0), (0, 128 - NUM))).T
    w2_t = W2.T
    params = jnp.zeros((16, 64), jnp.float32)
    rows = [b1, g1, be1, rm1, rv1, b2, g2, be2, rm2, rv2,
            W3[0], jnp.full((64,), b3[0], jnp.float32)]
    params = params.at[: len(rows)].set(jnp.stack(rows))

    return _tc_mlp(x4, xnum_p, w1_st, w1n_t, w2_t, params)

# --- scband reference (transcript-rebuilt; emitter-appended) ---
"""Pipeline reference for scband-fully-connected-73194832658479 (READ-ONLY COPY).

The authoritative reference and input builder live on the scoring server;
editing this copy changes nothing except your own understanding.
"""

import jax, jax.numpy as jnp
import numpy as np

B = 16384
F = 26
V = 100000
D = 32
NUM = 13
N_IN = F * D + NUM  # 845
EPS = 1e-5


def setup_inputs(seed: int = 0) -> dict:
    key = jax.random.key(seed)
    ks = jax.random.split(key, 8)
    X_cat = jax.random.randint(ks[0], (B, F), 0, V, dtype=jnp.int32)
    X_num = jax.random.normal(ks[1], (B, NUM), dtype=jnp.float32)
    tables = jax.random.normal(ks[2], (F, V, D), dtype=jnp.float32) * 0.01
    W1 = jax.random.normal(ks[3], (64, N_IN), dtype=jnp.float32) * 0.03
    b1 = jnp.zeros((64,), dtype=jnp.float32)
    g1 = jnp.ones((64,), dtype=jnp.float32)
    be1 = jnp.zeros((64,), dtype=jnp.float32)
    rm1 = jnp.zeros((64,), dtype=jnp.float32)
    rv1 = jnp.ones((64,), dtype=jnp.float32)
    W2 = jax.random.normal(ks[4], (64, 64), dtype=jnp.float32) * 0.1
    b2 = jnp.zeros((64,), dtype=jnp.float32)
    g2 = jnp.ones((64,), dtype=jnp.float32)
    be2 = jnp.zeros((64,), dtype=jnp.float32)
    rm2 = jnp.zeros((64,), dtype=jnp.float32)
    rv2 = jnp.ones((64,), dtype=jnp.float32)
    W3 = jax.random.normal(ks[5], (1, 64), dtype=jnp.float32) * 0.1
    b3 = jnp.zeros((1,), dtype=jnp.float32)
    return {"X_cat": X_cat, "X_num": X_num, "tables": tables,
            "W1": W1, "b1": b1, "g1": g1, "be1": be1, "rm1": rm1, "rv1": rv1,
            "W2": W2, "b2": b2, "g2": g2, "be2": be2, "rm2": rm2, "rv2": rv2,
            "W3": W3, "b3": b3}


def reference(X_cat, X_num, tables, W1, b1, g1, be1, rm1, rv1,
              W2, b2, g2, be2, rm2, rv2, W3, b3):
    # per-field embedding lookups: tables[i][X_cat[:, i]] for each field i
    emb = tables[jnp.arange(F)[:, None], X_cat.T]          # [F, B, D]
    cat_out = jnp.transpose(emb, (1, 0, 2)).reshape(X_cat.shape[0], F * D)
    x = jnp.concatenate([cat_out, X_num], axis=1)           # [B, 845]
    # Linear -> ReLU -> BatchNorm1d (eval: running stats) -> Dropout (eval: identity)
    x = x @ W1.T + b1
    x = jax.nn.relu(x)
    x = (x - rm1) / jnp.sqrt(rv1 + EPS) * g1 + be1
    x = x @ W2.T + b2
    x = jax.nn.relu(x)
    x = (x - rm2) / jnp.sqrt(rv2 + EPS) * g2 + be2
    x = x @ W3.T + b3
    return jax.nn.sigmoid(x)

if __name__ == "__main__":
    import jax
    _d = setup_inputs()
    print(jax.jit(kernel)(*tuple(_d.values())))

</pallas_src>

<mosaic_0001>
#map = affine_map<(d0, d1) -> (0, 0)>
#map1 = affine_map<(d0, d1) -> (0)>
#map2 = affine_map<(d0, d1) -> (0, 0, 0)>
module attributes {stable_mosaic.version = 14 : i64} {
  func.func @_gather_body(%arg0: i32, %arg1: i32, %arg2: memref<2981888x32xf32, #tpu.memory_space<hbm>>, %arg3: memref<425984xi32, #tpu.memory_space<hbm>>, %arg4: memref<32x112x128xi32, #tpu.memory_space<hbm>>, %arg5: memref<112x128xi32, #tpu.memory_space<hbm>>, %arg6: memref<458752x32xf32, #tpu.memory_space<hbm>>, %arg7: memref<112x128xi32, #tpu.memory_space<vmem>>, %arg8: memref<112x128xi32, #tpu.memory_space<vmem>>, %arg9: memref<112x128xi32, #tpu.memory_space<vmem>>, %arg10: memref<1024x32xf32, #tpu.memory_space<vmem>>, %arg11: memref<1024x32xf32, #tpu.memory_space<vmem>>, %arg12: memref<!tpu.dma_semaphore, #tpu.memory_space<semaphore_mem>>, %arg13: memref<!tpu.dma_semaphore, #tpu.memory_space<semaphore_mem>>) attributes {dimension_semantics = [#tpu.dimension_semantics<core_parallel>, #tpu.dimension_semantics<subcore_parallel>], iteration_bounds = array<i64: 2, 16>, scalar_prefetch = 0 : i64, scratch_operands = 7 : i64, tpu.core_type = #tpu.core_type<sc_vector_subcore>, window_params = [{transform_indices = #map}, {transform_indices = #map1}, {transform_indices = #map2}, {transform_indices = #map}, {transform_indices = #map}]} {
    %mul3A = arith.constant 2 : i32
    %mul3A_0 = arith.muli %arg1, %mul3A : i32
    %add3A = arith.addi %mul3A_0, %arg0 : i32
    "tpu.region"() ({
      %run_scoped3A = tpu.sem_alloc : memref<!tpu.dma_semaphore, #tpu.memory_space<semaphore_mem>>
      %dma_start3A_99 = arith.constant 0 : i32
      %dma_start3A_100 = arith.constant 0 : i32
      %dma_start3A_101 = tpu.memref_slice %arg4[%add3A, %dma_start3A_99, %dma_start3A_100] : memref<32x112x128xi32, #tpu.memory_space<hbm>> -> memref<1x112x128xi32, #tpu.memory_space<hbm>>
      %dma_start3A_102 = tpu.memref_squeeze %dma_start3A_101 : memref<1x112x128xi32, #tpu.memory_space<hbm>> -> memref<112x128xi32, #tpu.memory_space<hbm>>
      %dma_start3A_103 = arith.constant 0 : i32
      %dma_start3A_104 = arith.constant 0 : i32
      %dma_start3A_105 = tpu.memref_slice %arg4[%add3A, %dma_start3A_103, %dma_start3A_104] : memref<32x112x128xi32, #tpu.memory_space<hbm>> -> memref<1x112x128xi32, #tpu.memory_space<hbm>>
      %dma_start3A_106 = tpu.memref_squeeze %dma_start3A_105 : memref<1x112x128xi32, #tpu.memory_space<hbm>> -> memref<112x128xi32, #tpu.memory_space<hbm>>
      tpu.enqueue_dma source(%dma_start3A_106 : memref<112x128xi32, #tpu.memory_space<hbm>>) target(%arg7 : memref<112x128xi32, #tpu.memory_space<vmem>>) target_semaphore(%run_scoped3A : memref<!tpu.dma_semaphore, #tpu.memory_space<semaphore_mem>>)
      %dma_wait3A = arith.constant 0 : i32
      %dma_wait3A_107 = arith.constant 0 : i32
      %dma_wait3A_108 = tpu.memref_slice %arg4[%add3A, %dma_wait3A, %dma_wait3A_107] : memref<32x112x128xi32, #tpu.memory_space<hbm>> -> memref<1x112x128xi32, #tpu.memory_space<hbm>>
      %dma_wait3A_109 = tpu.memref_squeeze %dma_wait3A_108 : memref<1x112x128xi32, #tpu.memory_space<hbm>> -> memref<112x128xi32, #tpu.memory_space<hbm>>
      %dma_wait3A_110 = arith.constant 0 : i32
      %dma_wait3A_111 = arith.constant 0 : i32
      %dma_wait3A_112 = tpu.memref_slice %arg4[%add3A, %dma_wait3A_110, %dma_wait3A_111] : memref<32x112x128xi32, #tpu.memory_space<hbm>> -> memref<1x112x128xi32, #tpu.memory_space<hbm>>
      %dma_wait3A_113 = tpu.memref_squeeze %dma_wait3A_112 : memref<1x112x128xi32, #tpu.memory_space<hbm>> -> memref<112x128xi32, #tpu.memory_space<hbm>>
      tpu.wait_dma2 semaphore(%run_scoped3A : memref<!tpu.dma_semaphore, #tpu.memory_space<semaphore_mem>>) src(%dma_wait3A_113 : memref<112x128xi32, #tpu.memory_space<hbm>>) dst(%arg7 : memref<112x128xi32, #tpu.memory_space<vmem>>)
      tpu.yield
    }) : () -> ()
    "tpu.region"() ({
      %run_scoped3A = tpu.sem_alloc : memref<!tpu.dma_semaphore, #tpu.memory_space<semaphore_mem>>
      tpu.enqueue_dma source(%arg5 : memref<112x128xi32, #tpu.memory_space<hbm>>) target(%arg9 : memref<112x128xi32, #tpu.memory_space<vmem>>) target_semaphore(%run_scoped3A : memref<!tpu.dma_semaphore, #tpu.memory_space<semaphore_mem>>)
      tpu.wait_dma2 semaphore(%run_scoped3A : memref<!tpu.dma_semaphore, #tpu.memory_space<semaphore_mem>>) src(%arg5 : memref<112x128xi32, #tpu.memory_space<hbm>>) dst(%arg9 : memref<112x128xi32, #tpu.memory_space<vmem>>)
      tpu.yield
    }) : () -> ()
    %scan3A = arith.constant 0 : i32
    %scan3A_1 = arith.constant 0 : i32
    %scan3A_2 = arith.constant 14 : i32
    %scan3A_3 = arith.addi %scan3A_1, %scan3A_2 : i32
    %scan3A_4 = arith.constant 1 : i32
    scf.for %scan3A_99 = %scan3A_1 to %scan3A_3 step %scan3A_4  : i32 {
      %mul3A_100 = arith.constant 8 : i32
      %mul3A_101 = arith.muli %scan3A_99, %mul3A_100 : i32
      %add3A_102 = arith.constant 0 : i32
      %add3A_103 = arith.addi %mul3A_101, %add3A_102 : i32
      %dma_start3A_104 = arith.constant 0 : i32
      %dma_start3A_105 = tpu.memref_slice %arg8[%add3A_103, %dma_start3A_104] : memref<112x128xi32, #tpu.memory_space<vmem>> -> memref<1x128xi32, #tpu.memory_space<vmem>>
      %dma_start3A_106 = tpu.memref_squeeze %dma_start3A_105 : memref<1x128xi32, #tpu.memory_space<vmem>> -> memref<128xi32, #tpu.memory_space<vmem>>
      %dma_start3A_107 = arith.constant 0 : i32
      %dma_start3A_108 = tpu.memref_slice %arg7[%add3A_103, %dma_start3A_107] : memref<112x128xi32, #tpu.memory_space<vmem>> -> memref<1x128xi32, #tpu.memory_space<vmem>>
      %dma_start3A_109 = tpu.memref_squeeze %dma_start3A_108 : memref<1x128xi32, #tpu.memory_space<vmem>> -> memref<128xi32, #tpu.memory_space<vmem>>
      %dma_start3A_110 = arith.constant 0 : i32
      %dma_start3A_111 = tpu.memref_slice %arg3[%dma_start3A_110] : memref<425984xi32, #tpu.memory_space<hbm>> -> memref<425984xi32, #tpu.memory_space<hbm>>
      tpu.enqueue_indirect_dma source(%dma_start3A_111 : memref<425984xi32, #tpu.memory_space<hbm>>) target(%dma_start3A_106 : memref<128xi32, #tpu.memory_space<vmem>>) offsets(%dma_start3A_109 : memref<128xi32, #tpu.memory_space<vmem>>) semaphore(%arg12 : memref<!tpu.dma_semaphore, #tpu.memory_space<semaphore_mem>>)
      %mul3A_112 = arith.constant 8 : i32
      %mul3A_113 = arith.muli %scan3A_99, %mul3A_112 : i32
      %add3A_114 = arith.constant 1 : i32
      %add3A_115 = arith.addi %mul3A_113, %add3A_114 : i32
      %dma_start3A_116 = arith.constant 0 : i32
      %dma_start3A_117 = tpu.memref_slice %arg8[%add3A_115, %dma_start3A_116] : memref<112x128xi32, #tpu.memory_space<vmem>> -> memref<1x128xi32, #tpu.memory_space<vmem>>
      %dma_start3A_118 = tpu.memref_squeeze %dma_start3A_117 : memref<1x128xi32, #tpu.memory_space<vmem>> -> memref<128xi32, #tpu.memory_space<vmem>>
      %dma_start3A_119 = arith.constant 0 : i32
      %dma_start3A_120 = tpu.memref_slice %arg7[%add3A_115, %dma_start3A_119] : memref<112x128xi32, #tpu.memory_space<vmem>> -> memref<1x128xi32, #tpu.memory_space<vmem>>
      %dma_start3A_121 = tpu.memref_squeeze %dma_start3A_120 : memref<1x128xi32, #tpu.memory_space<vmem>> -> memref<128xi32, #tpu.memory_space<vmem>>
      %dma_start3A_122 = arith.constant 0 : i32
      %dma_start3A_123 = tpu.memref_slice %arg3[%dma_start3A_122] : memref<425984xi32, #tpu.memory_space<hbm>> -> memref<425984xi32, #tpu.memory_space<hbm>>
      tpu.enqueue_indirect_dma source(%dma_start3A_123 : memref<425984xi32, #tpu.memory_space<hbm>>) target(%dma_start3A_118 : memref<128xi32, #tpu.memory_space<vmem>>) offsets(%dma_start3A_121 : memref<128xi32, #tpu.memory_space<vmem>>) semaphore(%arg12 : memref<!tpu.dma_semaphore, #tpu.memory_space<semaphore_mem>>)
      %mul3A_124 = arith.constant 8 : i32
      %mul3A_125 = arith.muli %scan3A_99, %mul3A_124 : i32
      %add3A_126 = arith.constant 2 : i32
      %add3A_127 = arith.addi %mul3A_125, %add3A_126 : i32
      %dma_start3A_128 = arith.constant 0 : i32
      %dma_start3A_129 = tpu.memref_slice %arg8[%add3A_127, %dma_start3A_128] : memref<112x128xi32, #tpu.memory_space<vmem>> -> memref<1x128xi32, #tpu.memory_space<vmem>>
      %dma_start3A_130 = tpu.memref_squeeze %dma_start3A_129 : memref<1x128xi32, #tpu.memory_space<vmem>> -> memref<128xi32, #tpu.memory_space<vmem>>
      %dma_start3A_131 = arith.constant 0 : i32
      %dma_start3A_132 = tpu.memref_slice %arg7[%add3A_127, %dma_start3A_131] : memref<112x128xi32, #tpu.memory_space<vmem>> -> memref<1x128xi32, #tpu.memory_space<vmem>>
      %dma_start3A_133 = tpu.memref_squeeze %dma_start3A_132 : memref<1x128xi32, #tpu.memory_space<vmem>> -> memref<128xi32, #tpu.memory_space<vmem>>
      %dma_start3A_134 = arith.constant 0 : i32
      %dma_start3A_135 = tpu.memref_slice %arg3[%dma_start3A_134] : memref<425984xi32, #tpu.memory_space<hbm>> -> memref<425984xi32, #tpu.memory_space<hbm>>
      tpu.enqueue_indirect_dma source(%dma_start3A_135 : memref<425984xi32, #tpu.memory_space<hbm>>) target(%dma_start3A_130 : memref<128xi32, #tpu.memory_space<vmem>>) offsets(%dma_start3A_133 : memref<128xi32, #tpu.memory_space<vmem>>) semaphore(%arg12 : memref<!tpu.dma_semaphore, #tpu.memory_space<semaphore_mem>>)
      %mul3A_136 = arith.constant 8 : i32
      %mul3A_137 = arith.muli %scan3A_99, %mul3A_136 : i32
      %add3A_138 = arith.constant 3 : i32
      %add3A_139 = arith.addi %mul3A_137, %add3A_138 : i32
      %dma_start3A_140 = arith.constant 0 : i32
      %dma_start3A_141 = tpu.memref_slice %arg8[%add3A_139, %dma_start3A_140] : memref<112x128xi32, #tpu.memory_space<vmem>> -> memref<1x128xi32, #tpu.memory_space<vmem>>
      %dma_start3A_142 = tpu.memref_squeeze %dma_start3A_141 : memref<1x128xi32, #tpu.memory_space<vmem>> -> memref<128xi32, #tpu.memory_space<vmem>>
      %dma_start3A_143 = arith.constant 0 : i32
      %dma_start3A_144 = tpu.memref_slice %arg7[%add3A_139, %dma_start3A_143] : memref<112x128xi32, #tpu.memory_space<vmem>> -> memref<1x128xi32, #tpu.memory_space<vmem>>
      %dma_start3A_145 = tpu.memref_squeeze %dma_start3A_144 : memref<1x128xi32, #tpu.memory_space<vmem>> -> memref<128xi32, #tpu.memory_space<vmem>>
      %dma_start3A_146 = arith.constant 0 : i32
      %dma_start3A_147 = tpu.memref_slice %arg3[%dma_start3A_146] : memref<425984xi32, #tpu.memory_space<hbm>> -> memref<425984xi32, #tpu.memory_space<hbm>>
      tpu.enqueue_indirect_dma source(%dma_start3A_147 : memref<425984xi32, #tpu.memory_space<hbm>>) target(%dma_start3A_142 : memref<128xi32, #tpu.memory_space<vmem>>) offsets(%dma_start3A_145 : memref<128xi32, #tpu.memory_space<vmem>>) semaphore(%arg12 : memref<!tpu.dma_semaphore, #tpu.memory_space<semaphore_mem>>)
      %mul3A_148 = arith.constant 8 : i32
      %mul3A_149 = arith.muli %scan3A_99, %mul3A_148 : i32
      %add3A_150 = arith.constant 4 : i32
      %add3A_151 = arith.addi %mul3A_149, %add3A_150 : i32
      %dma_start3A_152 = arith.constant 0 : i32
      %dma_start3A_153 = tpu.memref_slice %arg8[%add3A_151, %dma_start3A_152] : memref<112x128xi32, #tpu.memory_space<vmem>> -> memref<1x128xi32, #tpu.memory_space<vmem>>
      %dma_start3A_154 = tpu.memref_squeeze %dma_start3A_153 : memref<1x128xi32, #tpu.memory_space<vmem>> -> memref<128xi32, #tpu.memory_space<vmem>>
      %dma_start3A_155 = arith.constant 0 : i32
      %dma_start3A_156 = tpu.memref_slice %arg7[%add3A_151, %dma_start3A_155] : memref<112x128xi32, #tpu.memory_space<vmem>> -> memref<1x128xi32, #tpu.memory_space<vmem>>
      %dma_start3A_157 = tpu.memref_squeeze %dma_start3A_156 : memref<1x128xi32, #tpu.memory_space<vmem>> -> memref<128xi32, #tpu.memory_space<vmem>>
      %dma_start3A_158 = arith.constant 0 : i32
      %dma_start3A_159 = tpu.memref_slice %arg3[%dma_start3A_158] : memref<425984xi32, #tpu.memory_space<hbm>> -> memref<425984xi32, #tpu.memory_space<hbm>>
      tpu.enqueue_indirect_dma source(%dma_start3A_159 : memref<425984xi32, #tpu.memory_space<hbm>>) target(%dma_start3A_154 : memref<128xi32, #tpu.memory_space<vmem>>) offsets(%dma_start3A_157 : memref<128xi32, #tpu.memory_space<vmem>>) semaphore(%arg12 : memref<!tpu.dma_semaphore, #tpu.memory_space<semaphore_mem>>)
      %mul3A_160 = arith.constant 8 : i32
      %mul3A_161 = arith.muli %scan3A_99, %mul3A_160 : i32
      %add3A_162 = arith.constant 5 : i32
      %add3A_163 = arith.addi %mul3A_161, %add3A_162 : i32
      %dma_start3A_164 = arith.constant 0 : i32
      %dma_start3A_165 = tpu.memref_slice %arg8[%add3A_163, %dma_start3A_164] : memref<112x128xi32, #tpu.memory_space<vmem>> -> memref<1x128xi32, #tpu.memory_space<vmem>>
      %dma_start3A_166 = tpu.memref_squeeze %dma_start3A_165 : memref<1x128xi32, #tpu.memory_space<vmem>> -> memref<128xi32, #tpu.memory_space<vmem>>
      %dma_start3A_167 = arith.constant 0 : i32
      %dma_start3A_168 = tpu.memref_slice %arg7[%add3A_163, %dma_start3A_167] : memref<112x128xi32, #tpu.memory_space<vmem>> -> memref<1x128xi32, #tpu.memory_space<vmem>>
      %dma_start3A_169 = tpu.memref_squeeze %dma_start3A_168 : memref<1x128xi32, #tpu.memory_space<vmem>> -> memref<128xi32, #tpu.memory_space<vmem>>
      %dma_start3A_170 = arith.constant 0 : i32
      %dma_start3A_171 = tpu.memref_slice %arg3[%dma_start3A_170] : memref<425984xi32, #tpu.memory_space<hbm>> -> memref<425984xi32, #tpu.memory_space<hbm>>
      tpu.enqueue_indirect_dma source(%dma_start3A_171 : memref<425984xi32, #tpu.memory_space<hbm>>) target(%dma_start3A_166 : memref<128xi32, #tpu.memory_space<vmem>>) offsets(%dma_start3A_169 : memref<128xi32, #tpu.memory_space<vmem>>) semaphore(%arg12 : memref<!tpu.dma_semaphore, #tpu.memory_space<semaphore_mem>>)
      %mul3A_172 = arith.constant 8 : i32
      %mul3A_173 = arith.muli %scan3A_99, %mul3A_172 : i32
      %add3A_174 = arith.constant 6 : i32
      %add3A_175 = arith.addi %mul3A_173, %add3A_174 : i32
      %dma_start3A_176 = arith.constant 0 : i32
      %dma_start3A_177 = tpu.memref_slice %arg8[%add3A_175, %dma_start3A_176] : memref<112x128xi32, #tpu.memory_space<vmem>> -> memref<1x128xi32, #tpu.memory_space<vmem>>
      %dma_start3A_178 = tpu.memref_squeeze %dma_start3A_177 : memref<1x128xi32, #tpu.memory_space<vmem>> -> memref<128xi32, #tpu.memory_space<vmem>>
      %dma_start3A_179 = arith.constant 0 : i32
      %dma_start3A_180 = tpu.memref_slice %arg7[%add3A_175, %dma_start3A_179] : memref<112x128xi32, #tpu.memory_space<vmem>> -> memref<1x128xi32, #tpu.memory_space<vmem>>
      %dma_start3A_181 = tpu.memref_squeeze %dma_start3A_180 : memref<1x128xi32, #tpu.memory_space<vmem>> -> memref<128xi32, #tpu.memory_space<vmem>>
      %dma_start3A_182 = arith.constant 0 : i32
      %dma_start3A_183 = tpu.memref_slice %arg3[%dma_start3A_182] : memref<425984xi32, #tpu.memory_space<hbm>> -> memref<425984xi32, #tpu.memory_space<hbm>>
      tpu.enqueue_indirect_dma source(%dma_start3A_183 : memref<425984xi32, #tpu.memory_space<hbm>>) target(%dma_start3A_178 : memref<128xi32, #tpu.memory_space<vmem>>) offsets(%dma_start3A_181 : memref<128xi32, #tpu.memory_space<vmem>>) semaphore(%arg12 : memref<!tpu.dma_semaphore, #tpu.memory_space<semaphore_mem>>)
      %mul3A_184 = arith.constant 8 : i32
      %mul3A_185 = arith.muli %scan3A_99, %mul3A_184 : i32
      %add3A_186 = arith.constant 7 : i32
      %add3A_187 = arith.addi %mul3A_185, %add3A_186 : i32
      %dma_start3A_188 = arith.constant 0 : i32
      %dma_start3A_189 = tpu.memref_slice %arg8[%add3A_187, %dma_start3A_188] : memref<112x128xi32, #tpu.memory_space<vmem>> -> memref<1x128xi32, #tpu.memory_space<vmem>>
      %dma_start3A_190 = tpu.memref_squeeze %dma_start3A_189 : memref<1x128xi32, #tpu.memory_space<vmem>> -> memref<128xi32, #tpu.memory_space<vmem>>
      %dma_start3A_191 = arith.constant 0 : i32
      %dma_start3A_192 = tpu.memref_slice %arg7[%add3A_187, %dma_start3A_191] : memref<112x128xi32, #tpu.memory_space<vmem>> -> memref<1x128xi32, #tpu.memory_space<vmem>>
      %dma_start3A_193 = tpu.memref_squeeze %dma_start3A_192 : memref<1x128xi32, #tpu.memory_space<vmem>> -> memref<128xi32, #tpu.memory_space<vmem>>
      %dma_start3A_194 = arith.constant 0 : i32
      %dma_start3A_195 = tpu.memref_slice %arg3[%dma_start3A_194] : memref<425984xi32, #tpu.memory_space<hbm>> -> memref<425984xi32, #tpu.memory_space<hbm>>
      tpu.enqueue_indirect_dma source(%dma_start3A_195 : memref<425984xi32, #tpu.memory_space<hbm>>) target(%dma_start3A_190 : memref<128xi32, #tpu.memory_space<vmem>>) offsets(%dma_start3A_193 : memref<128xi32, #tpu.memory_space<vmem>>) semaphore(%arg12 : memref<!tpu.dma_semaphore, #tpu.memory_space<semaphore_mem>>)
      %dma_wait3A = arith.constant 0 : i32
      %dma_wait3A_196 = tpu.memref_slice %arg8[%add3A_103, %dma_wait3A] : memref<112x128xi32, #tpu.memory_space<vmem>> -> memref<1x128xi32, #tpu.memory_space<vmem>>
      %dma_wait3A_197 = tpu.memref_squeeze %dma_wait3A_196 : memref<1x128xi32, #tpu.memory_space<vmem>> -> memref<128xi32, #tpu.memory_space<vmem>>
      %dma_wait3A_198 = arith.constant 0 : i32
      %dma_wait3A_199 = tpu.memref_slice %arg7[%add3A_103, %dma_wait3A_198] : memref<112x128xi32, #tpu.memory_space<vmem>> -> memref<1x128xi32, #tpu.memory_space<vmem>>
      %dma_wait3A_200 = tpu.memref_squeeze %dma_wait3A_199 : memref<1x128xi32, #tpu.memory_space<vmem>> -> memref<128xi32, #tpu.memory_space<vmem>>
      %dma_wait3A_201 = arith.constant 0 : i32
      %dma_wait3A_202 = tpu.memref_slice %arg3[%dma_wait3A_201] : memref<425984xi32, #tpu.memory_space<hbm>> -> memref<425984xi32, #tpu.memory_space<hbm>>
      tpu.wait_indirect_dma semaphore(%arg12 : memref<!tpu.dma_semaphore, #tpu.memory_space<semaphore_mem>>) src(%dma_wait3A_202 : memref<425984xi32, #tpu.memory_space<hbm>>) dst(%dma_wait3A_197 : memref<128xi32, #tpu.memory_space<vmem>>)
      %dma_wait3A_203 = arith.constant 0 : i32
      %dma_wait3A_204 = tpu.memref_slice %arg8[%add3A_115, %dma_wait3A_203] : memref<112x128xi32, #tpu.memory_space<vmem>> -> memref<1x128xi32, #tpu.memory_space<vmem>>
      %dma_wait3A_205 = tpu.memref_squeeze %dma_wait3A_204 : memref<1x128xi32, #tpu.memory_space<vmem>> -> memref<128xi32, #tpu.memory_space<vmem>>
      %dma_wait3A_206 = arith.constant 0 : i32
      %dma_wait3A_207 = tpu.memref_slice %arg7[%add3A_115, %dma_wait3A_206] : memref<112x128xi32, #tpu.memory_space<vmem>> -> memref<1x128xi32, #tpu.memory_space<vmem>>
      %dma_wait3A_208 = tpu.memref_squeeze %dma_wait3A_207 : memref<1x128xi32, #tpu.memory_space<vmem>> -> memref<128xi32, #tpu.memory_space<vmem>>
      %dma_wait3A_209 = arith.constant 0 : i32
      %dma_wait3A_210 = tpu.memref_slice %arg3[%dma_wait3A_209] : memref<425984xi32, #tpu.memory_space<hbm>> -> memref<425984xi32, #tpu.memory_space<hbm>>
      tpu.wait_indirect_dma semaphore(%arg12 : memref<!tpu.dma_semaphore, #tpu.memory_space<semaphore_mem>>) src(%dma_wait3A_210 : memref<425984xi32, #tpu.memory_space<hbm>>) dst(%dma_wait3A_205 : memref<128xi32, #tpu.memory_space<vmem>>)
      %dma_wait3A_211 = arith.constant 0 : i32
      %dma_wait3A_212 = tpu.memref_slice %arg8[%add3A_127, %dma_wait3A_211] : memref<112x128xi32, #tpu.memory_space<vmem>> -> memref<1x128xi32, #tpu.memory_space<vmem>>
      %dma_wait3A_213 = tpu.memref_squeeze %dma_wait3A_212 : memref<1x128xi32, #tpu.memory_space<vmem>> -> memref<128xi32, #tpu.memory_space<vmem>>
      %dma_wait3A_214 = arith.constant 0 : i32
      %dma_wait3A_215 = tpu.memref_slice %arg7[%add3A_127, %dma_wait3A_214] : memref<112x128xi32, #tpu.memory_space<vmem>> -> memref<1x128xi32, #tpu.memory_space<vmem>>
      %dma_wait3A_216 = tpu.memref_squeeze %dma_wait3A_215 : memref<1x128xi32, #tpu.memory_space<vmem>> -> memref<128xi32, #tpu.memory_space<vmem>>
      %dma_wait3A_217 = arith.constant 0 : i32
      %dma_wait3A_218 = tpu.memref_slice %arg3[%dma_wait3A_217] : memref<425984xi32, #tpu.memory_space<hbm>> -> memref<425984xi32, #tpu.memory_space<hbm>>
      tpu.wait_indirect_dma semaphore(%arg12 : memref<!tpu.dma_semaphore, #tpu.memory_space<semaphore_mem>>) src(%dma_wait3A_218 : memref<425984xi32, #tpu.memory_space<hbm>>) dst(%dma_wait3A_213 : memref<128xi32, #tpu.memory_space<vmem>>)
      %dma_wait3A_219 = arith.constant 0 : i32
      %dma_wait3A_220 = tpu.memref_slice %arg8[%add3A_139, %dma_wait3A_219] : memref<112x128xi32, #tpu.memory_space<vmem>> -> memref<1x128xi32, #tpu.memory_space<vmem>>
      %dma_wait3A_221 = tpu.memref_squeeze %dma_wait3A_220 : memref<1x128xi32, #tpu.memory_space<vmem>> -> memref<128xi32, #tpu.memory_space<vmem>>
      %dma_wait3A_222 = arith.constant 0 : i32
      %dma_wait3A_223 = tpu.memref_slice %arg7[%add3A_139, %dma_wait3A_222] : memref<112x128xi32, #tpu.memory_space<vmem>> -> memref<1x128xi32, #tpu.memory_space<vmem>>
      %dma_wait3A_224 = tpu.memref_squeeze %dma_wait3A_223 : memref<1x128xi32, #tpu.memory_space<vmem>> -> memref<128xi32, #tpu.memory_space<vmem>>
      %dma_wait3A_225 = arith.constant 0 : i32
      %dma_wait3A_226 = tpu.memref_slice %arg3[%dma_wait3A_225] : memref<425984xi32, #tpu.memory_space<hbm>> -> memref<425984xi32, #tpu.memory_space<hbm>>
      tpu.wait_indirect_dma semaphore(%arg12 : memref<!tpu.dma_semaphore, #tpu.memory_space<semaphore_mem>>) src(%dma_wait3A_226 : memref<425984xi32, #tpu.memory_space<hbm>>) dst(%dma_wait3A_221 : memref<128xi32, #tpu.memory_space<vmem>>)
      %dma_wait3A_227 = arith.constant 0 : i32
      %dma_wait3A_228 = tpu.memref_slice %arg8[%add3A_151, %dma_wait3A_227] : memref<112x128xi32, #tpu.memory_space<vmem>> -> memref<1x128xi32, #tpu.memory_space<vmem>>
      %dma_wait3A_229 = tpu.memref_squeeze %dma_wait3A_228 : memref<1x128xi32, #tpu.memory_space<vmem>> -> memref<128xi32, #tpu.memory_space<vmem>>
      %dma_wait3A_230 = arith.constant 0 : i32
      %dma_wait3A_231 = tpu.memref_slice %arg7[%add3A_151, %dma_wait3A_230] : memref<112x128xi32, #tpu.memory_space<vmem>> -> memref<1x128xi32, #tpu.memory_space<vmem>>
      %dma_wait3A_232 = tpu.memref_squeeze %dma_wait3A_231 : memref<1x128xi32, #tpu.memory_space<vmem>> -> memref<128xi32, #tpu.memory_space<vmem>>
      %dma_wait3A_233 = arith.constant 0 : i32
      %dma_wait3A_234 = tpu.memref_slice %arg3[%dma_wait3A_233] : memref<425984xi32, #tpu.memory_space<hbm>> -> memref<425984xi32, #tpu.memory_space<hbm>>
      tpu.wait_indirect_dma semaphore(%arg12 : memref<!tpu.dma_semaphore, #tpu.memory_space<semaphore_mem>>) src(%dma_wait3A_234 : memref<425984xi32, #tpu.memory_space<hbm>>) dst(%dma_wait3A_229 : memref<128xi32, #tpu.memory_space<vmem>>)
      %dma_wait3A_235 = arith.constant 0 : i32
      %dma_wait3A_236 = tpu.memref_slice %arg8[%add3A_163, %dma_wait3A_235] : memref<112x128xi32, #tpu.memory_space<vmem>> -> memref<1x128xi32, #tpu.memory_space<vmem>>
      %dma_wait3A_237 = tpu.memref_squeeze %dma_wait3A_236 : memref<1x128xi32, #tpu.memory_space<vmem>> -> memref<128xi32, #tpu.memory_space<vmem>>
      %dma_wait3A_238 = arith.constant 0 : i32
      %dma_wait3A_239 = tpu.memref_slice %arg7[%add3A_163, %dma_wait3A_238] : memref<112x128xi32, #tpu.memory_space<vmem>> -> memref<1x128xi32, #tpu.memory_space<vmem>>
      %dma_wait3A_240 = tpu.memref_squeeze %dma_wait3A_239 : memref<1x128xi32, #tpu.memory_space<vmem>> -> memref<128xi32, #tpu.memory_space<vmem>>
      %dma_wait3A_241 = arith.constant 0 : i32
      %dma_wait3A_242 = tpu.memref_slice %arg3[%dma_wait3A_241] : memref<425984xi32, #tpu.memory_space<hbm>> -> memref<425984xi32, #tpu.memory_space<hbm>>
      tpu.wait_indirect_dma semaphore(%arg12 : memref<!tpu.dma_semaphore, #tpu.memory_space<semaphore_mem>>) src(%dma_wait3A_242 : memref<425984xi32, #tpu.memory_space<hbm>>) dst(%dma_wait3A_237 : memref<128xi32, #tpu.memory_space<vmem>>)
      %dma_wait3A_243 = arith.constant 0 : i32
      %dma_wait3A_244 = tpu.memref_slice %arg8[%add3A_175, %dma_wait3A_243] : memref<112x128xi32, #tpu.memory_space<vmem>> -> memref<1x128xi32, #tpu.memory_space<vmem>>
      %dma_wait3A_245 = tpu.memref_squeeze %dma_wait3A_244 : memref<1x128xi32, #tpu.memory_space<vmem>> -> memref<128xi32, #tpu.memory_space<vmem>>
      %dma_wait3A_246 = arith.constant 0 : i32
      %dma_wait3A_247 = tpu.memref_slice %arg7[%add3A_175, %dma_wait3A_246] : memref<112x128xi32, #tpu.memory_space<vmem>> -> memref<1x128xi32, #tpu.memory_space<vmem>>
      %dma_wait3A_248 = tpu.memref_squeeze %dma_wait3A_247 : memref<1x128xi32, #tpu.memory_space<vmem>> -> memref<128xi32, #tpu.memory_space<vmem>>
      %dma_wait3A_249 = arith.constant 0 : i32
      %dma_wait3A_250 = tpu.memref_slice %arg3[%dma_wait3A_249] : memref<425984xi32, #tpu.memory_space<hbm>> -> memref<425984xi32, #tpu.memory_space<hbm>>
      tpu.wait_indirect_dma semaphore(%arg12 : memref<!tpu.dma_semaphore, #tpu.memory_space<semaphore_mem>>) src(%dma_wait3A_250 : memref<425984xi32, #tpu.memory_space<hbm>>) dst(%dma_wait3A_245 : memref<128xi32, #tpu.memory_space<vmem>>)
      %dma_wait3A_251 = arith.constant 0 : i32
      %dma_wait3A_252 = tpu.memref_slice %arg8[%add3A_187, %dma_wait3A_251] : memref<112x128xi32, #tpu.memory_space<vmem>> -> memref<1x128xi32, #tpu.memory_space<vmem>>
      %dma_wait3A_253 = tpu.memref_squeeze %dma_wait3A_252 : memref<1x128xi32, #tpu.memory_space<vmem>> -> memref<128xi32, #tpu.memory_space<vmem>>
      %dma_wait3A_254 = arith.constant 0 : i32
      %dma_wait3A_255 = tpu.memref_slice %arg7[%add3A_187, %dma_wait3A_254] : memref<112x128xi32, #tpu.memory_space<vmem>> -> memref<1x128xi32, #tpu.memory_space<vmem>>
      %dma_wait3A_256 = tpu.memref_squeeze %dma_wait3A_255 : memref<1x128xi32, #tpu.memory_space<vmem>> -> memref<128xi32, #tpu.memory_space<vmem>>
      %dma_wait3A_257 = arith.constant 0 : i32
      %dma_wait3A_258 = tpu.memref_slice %arg3[%dma_wait3A_257] : memref<425984xi32, #tpu.memory_space<hbm>> -> memref<425984xi32, #tpu.memory_space<hbm>>
      tpu.wait_indirect_dma semaphore(%arg12 : memref<!tpu.dma_semaphore, #tpu.memory_space<semaphore_mem>>) src(%dma_wait3A_258 : memref<425984xi32, #tpu.memory_space<hbm>>) dst(%dma_wait3A_253 : memref<128xi32, #tpu.memory_space<vmem>>)
    }
    %scan3A_5 = arith.constant 14 : i32
    %scan3A_6 = arith.constant 0 : i32
    %scan3A_7 = arith.constant 0 : i32
    %scan3A_8 = arith.constant 112 : i32
    %scan3A_9 = arith.addi %scan3A_7, %scan3A_8 : i32
    %scan3A_10 = arith.constant 1 : i32
    scf.for %scan3A_99 = %scan3A_7 to %scan3A_9 step %scan3A_10  : i32 {
      %get3A = arith.index_cast %scan3A_99 : i32 to index
      %get3A_100 = arith.constant 0 : index
      %get3A_101 = tpu.vector_load %arg8[%get3A, %get3A_100] {strides = array<i32>} : memref<112x128xi32, #tpu.memory_space<vmem>>, vector<1x16xi32>,
      %get3A_102 = vector.shape_cast %get3A_101 : vector<1x16xi32> to vector<16xi32>
      %shift_right_logical3A = arith.constant 13 : i32
      %shift_right_logical3A_103 = vector.broadcast %shift_right_logical3A : i32 to vector<16xi32>
      %shift_right_logical3A_104 = arith.shrui %get3A_102, %shift_right_logical3A_103 : vector<16xi32>
      %shift_left3A = arith.constant 15 : i32
      %shift_left3A_105 = vector.broadcast %shift_left3A : i32 to vector<16xi32>
      %shift_left3A_106 = arith.shli %shift_right_logical3A_104, %shift_left3A_105 : vector<16xi32>
      %and3A = arith.constant 8191 : i32
      %and3A_107 = vector.broadcast %and3A : i32 to vector<16xi32>
      %and3A_108 = arith.andi %get3A_102, %and3A_107 : vector<16xi32>
      %shift_left3A_109 = arith.constant 2 : i32
      %shift_left3A_110 = vector.broadcast %shift_left3A_109 : i32 to vector<16xi32>
      %shift_left3A_111 = arith.shli %and3A_108, %shift_left3A_110 : vector<16xi32>
      %add3A_112 = arith.addi %shift_left3A_106, %shift_left3A_111 : vector<16xi32>
      %get3A_113 = arith.index_cast %scan3A_99 : i32 to index
      %get3A_114 = arith.constant 0 : index
      %get3A_115 = tpu.vector_load %arg9[%get3A_113, %get3A_114] {strides = array<i32>} : memref<112x128xi32, #tpu.memory_space<vmem>>, vector<1x16xi32>,
      %get3A_116 = vector.shape_cast %get3A_115 : vector<1x16xi32> to vector<16xi32>
      %add3A_117 = arith.addi %add3A_112, %get3A_116 : vector<16xi32>
      %swap3A = arith.index_cast %scan3A_99 : i32 to index
      %swap3A_118 = arith.constant 0 : index
      %swap3A_119 = tpu.vector_load %arg8[%swap3A, %swap3A_118] {strides = array<i32>} : memref<112x128xi32, #tpu.memory_space<vmem>>, vector<1x16xi32>,
      %swap3A_120 = vector.shape_cast %swap3A_119 : vector<1x16xi32> to vector<16xi32>
      %swap3A_121 = vector.shape_cast %add3A_117 : vector<16xi32> to vector<1x16xi32>
      tpu.vector_store %arg8[%swap3A, %swap3A_118], %swap3A_121 {strides = array<i32>} : memref<112x128xi32, #tpu.memory_space<vmem>>, vector<1x16xi32>,
      %get3A_122 = arith.index_cast %scan3A_99 : i32 to index
      %get3A_123 = arith.constant 16 : index
      %get3A_124 = tpu.vector_load %arg8[%get3A_122, %get3A_123] {strides = array<i32>} : memref<112x128xi32, #tpu.memory_space<vmem>>, vector<1x16xi32>,
      %get3A_125 = vector.shape_cast %get3A_124 : vector<1x16xi32> to vector<16xi32>
      %shift_right_logical3A_126 = arith.constant 13 : i32
      %shift_right_logical3A_127 = vector.broadcast %shift_right_logical3A_126 : i32 to vector<16xi32>
      %shift_right_logical3A_128 = arith.shrui %get3A_125, %shift_right_logical3A_127 : vector<16xi32>
      %shift_left3A_129 = arith.constant 15 : i32
      %shift_left3A_130 = vector.broadcast %shift_left3A_129 : i32 to vector<16xi32>
      %shift_left3A_131 = arith.shli %shift_right_logical3A_128, %shift_left3A_130 : vector<16xi32>
      %and3A_132 = arith.constant 8191 : i32
      %and3A_133 = vector.broadcast %and3A_132 : i32 to vector<16xi32>
      %and3A_134 = arith.andi %get3A_125, %and3A_133 : vector<16xi32>
      %shift_left3A_135 = arith.constant 2 : i32
      %shift_left3A_136 = vector.broadcast %shift_left3A_135 : i32 to vector<16xi32>
      %shift_left3A_137 = arith.shli %and3A_134, %shift_left3A_136 : vector<16xi32>
      %add3A_138 = arith.addi %shift_left3A_131, %shift_left3A_137 : vector<16xi32>
      %get3A_139 = arith.index_cast %scan3A_99 : i32 to index
      %get3A_140 = arith.constant 16 : index
      %get3A_141 = tpu.vector_load %arg9[%get3A_139, %get3A_140] {strides = array<i32>} : memref<112x128xi32, #tpu.memory_space<vmem>>, vector<1x16xi32>,
      %get3A_142 = vector.shape_cast %get3A_141 : vector<1x16xi32> to vector<16xi32>
      %add3A_143 = arith.addi %add3A_138, %get3A_142 : vector<16xi32>
      %swap3A_144 = arith.index_cast %scan3A_99 : i32 to index
      %swap3A_145 = arith.constant 16 : index
      %swap3A_146 = tpu.vector_load %arg8[%swap3A_144, %swap3A_145] {strides = array<i32>} : memref<112x128xi32, #tpu.memory_space<vmem>>, vector<1x16xi32>,
      %swap3A_147 = vector.shape_cast %swap3A_146 : vector<1x16xi32> to vector<16xi32>
      %swap3A_148 = vector.shape_cast %add3A_143 : vector<16xi32> to vector<1x16xi32>
      tpu.vector_store %arg8[%swap3A_144, %swap3A_145], %swap3A_148 {strides = array<i32>} : memref<112x128xi32, #tpu.memory_space<vmem>>, vector<1x16xi32>,
      %get3A_149 = arith.index_cast %scan3A_99 : i32 to index
      %get3A_150 = arith.constant 32 : index
      %get3A_151 = tpu.vector_load %arg8[%get3A_149, %get3A_150] {strides = array<i32>} : memref<112x128xi32, #tpu.memory_space<vmem>>, vector<1x16xi32>,
      %get3A_152 = vector.shape_cast %get3A_151 : vector<1x16xi32> to vector<16xi32>
      %shift_right_logical3A_153 = arith.constant 13 : i32
      %shift_right_logical3A_154 = vector.broadcast %shift_right_logical3A_153 : i32 to vector<16xi32>
      %shift_right_logical3A_155 = arith.shrui %get3A_152, %shift_right_logical3A_154 : vector<16xi32>
      %shift_left3A_156 = arith.constant 15 : i32
      %shift_left3A_157 = vector.broadcast %shift_left3A_156 : i32 to vector<16xi32>
      %shift_left3A_158 = arith.shli %shift_right_logical3A_155, %shift_left3A_157 : vector<16xi32>
      %and3A_159 = arith.constant 8191 : i32
      %and3A_160 = vector.broadcast %and3A_159 : i32 to vector<16xi32>
      %and3A_161 = arith.andi %get3A_152, %and3A_160 : vector<16xi32>
      %shift_left3A_162 = arith.constant 2 : i32
      %shift_left3A_163 = vector.broadcast %shift_left3A_162 : i32 to vector<16xi32>
      %shift_left3A_164 = arith.shli %and3A_161, %shift_left3A_163 : vector<16xi32>
      %add3A_165 = arith.addi %shift_left3A_158, %shift_left3A_164 : vector<16xi32>
      %get3A_166 = arith.index_cast %scan3A_99 : i32 to index
      %get3A_167 = arith.constant 32 : index
      %get3A_168 = tpu.vector_load %arg9[%get3A_166, %get3A_167] {strides = array<i32>} : memref<112x128xi32, #tpu.memory_space<vmem>>, vector<1x16xi32>,
      %get3A_169 = vector.shape_cast %get3A_168 : vector<1x16xi32> to vector<16xi32>
      %add3A_170 = arith.addi %add3A_165, %get3A_169 : vector<16xi32>
      %swap3A_171 = arith.index_cast %scan3A_99 : i32 to index
      %swap3A_172 = arith.constant 32 : index
      %swap3A_173 = tpu.vector_load %arg8[%swap3A_171, %swap3A_172] {strides = array<i32>} : memref<112x128xi32, #tpu.memory_space<vmem>>, vector<1x16xi32>,
      %swap3A_174 = vector.shape_cast %swap3A_173 : vector<1x16xi32> to vector<16xi32>
      %swap3A_175 = vector.shape_cast %add3A_170 : vector<16xi32> to vector<1x16xi32>
      tpu.vector_store %arg8[%swap3A_171, %swap3A_172], %swap3A_175 {strides = array<i32>} : memref<112x128xi32, #tpu.memory_space<vmem>>, vector<1x16xi32>,
      %get3A_176 = arith.index_cast %scan3A_99 : i32 to index
      %get3A_177 = arith.constant 48 : index
      %get3A_178 = tpu.vector_load %arg8[%get3A_176, %get3A_177] {strides = array<i32>} : memref<112x128xi32, #tpu.memory_space<vmem>>, vector<1x16xi32>,
      %get3A_179 = vector.shape_cast %get3A_178 : vector<1x16xi32> to vector<16xi32>
      %shift_right_logical3A_180 = arith.constant 13 : i32
      %shift_right_logical3A_181 = vector.broadcast %shift_right_logical3A_180 : i32 to vector<16xi32>
      %shift_right_logical3A_182 = arith.shrui %get3A_179, %shift_right_logical3A_181 : vector<16xi32>
      %shift_left3A_183 = arith.constant 15 : i32
      %shift_left3A_184 = vector.broadcast %shift_left3A_183 : i32 to vector<16xi32>
      %shift_left3A_185 = arith.shli %shift_right_logical3A_182, %shift_left3A_184 : vector<16xi32>
      %and3A_186 = arith.constant 8191 : i32
      %and3A_187 = vector.broadcast %and3A_186 : i32 to vector<16xi32>
      %and3A_188 = arith.andi %get3A_179, %and3A_187 : vector<16xi32>
      %shift_left3A_189 = arith.constant 2 : i32
      %shift_left3A_190 = vector.broadcast %shift_left3A_189 : i32 to vector<16xi32>
      %shift_left3A_191 = arith.shli %and3A_188, %shift_left3A_190 : vector<16xi32>
      %add3A_192 = arith.addi %shift_left3A_185, %shift_left3A_191 : vector<16xi32>
      %get3A_193 = arith.index_cast %scan3A_99 : i32 to index
      %get3A_194 = arith.constant 48 : index
      %get3A_195 = tpu.vector_load %arg9[%get3A_193, %get3A_194] {strides = array<i32>} : memref<112x128xi32, #tpu.memory_space<vmem>>, vector<1x16xi32>,
      %get3A_196 = vector.shape_cast %get3A_195 : vector<1x16xi32> to vector<16xi32>
      %add3A_197 = arith.addi %add3A_192, %get3A_196 : vector<16xi32>
      %swap3A_198 = arith.index_cast %scan3A_99 : i32 to index
      %swap3A_199 = arith.constant 48 : index
      %swap3A_200 = tpu.vector_load %arg8[%swap3A_198, %swap3A_199] {strides = array<i32>} : memref<112x128xi32, #tpu.memory_space<vmem>>, vector<1x16xi32>,
      %swap3A_201 = vector.shape_cast %swap3A_200 : vector<1x16xi32> to vector<16xi32>
      %swap3A_202 = vector.shape_cast %add3A_197 : vector<16xi32> to vector<1x16xi32>
      tpu.vector_store %arg8[%swap3A_198, %swap3A_199], %swap3A_202 {strides = array<i32>} : memref<112x128xi32, #tpu.memory_space<vmem>>, vector<1x16xi32>,
      %get3A_203 = arith.index_cast %scan3A_99 : i32 to index
      %get3A_204 = arith.constant 64 : index
      %get3A_205 = tpu.vector_load %arg8[%get3A_203, %get3A_204] {strides = array<i32>} : memref<112x128xi32, #tpu.memory_space<vmem>>, vector<1x16xi32>,
      %get3A_206 = vector.shape_cast %get3A_205 : vector<1x16xi32> to vector<16xi32>
      %shift_right_logical3A_207 = arith.constant 13 : i32
      %shift_right_logical3A_208 = vector.broadcast %shift_right_logical3A_207 : i32 to vector<16xi32>
      %shift_right_logical3A_209 = arith.shrui %get3A_206, %shift_right_logical3A_208 : vector<16xi32>
      %shift_left3A_210 = arith.constant 15 : i32
      %shift_left3A_211 = vector.broadcast %shift_left3A_210 : i32 to vector<16xi32>
      %shift_left3A_212 = arith.shli %shift_right_logical3A_209, %shift_left3A_211 : vector<16xi32>
      %and3A_213 = arith.constant 8191 : i32
      %and3A_214 = vector.broadcast %and3A_213 : i32 to vector<16xi32>
      %and3A_215 = arith.andi %get3A_206, %and3A_214 : vector<16xi32>
      %shift_left3A_216 = arith.constant 2 : i32
      %shift_left3A_217 = vector.broadcast %shift_left3A_216 : i32 to vector<16xi32>
      %shift_left3A_218 = arith.shli %and3A_215, %shift_left3A_217 : vector<16xi32>
      %add3A_219 = arith.addi %shift_left3A_212, %shift_left3A_218 : vector<16xi32>
      %get3A_220 = arith.index_cast %scan3A_99 : i32 to index
      %get3A_221 = arith.constant 64 : index
      %get3A_222 = tpu.vector_load %arg9[%get3A_220, %get3A_221] {strides = array<i32>} : memref<112x128xi32, #tpu.memory_space<vmem>>, vector<1x16xi32>,
      %get3A_223 = vector.shape_cast %get3A_222 : vector<1x16xi32> to vector<16xi32>
      %add3A_224 = arith.addi %add3A_219, %get3A_223 : vector<16xi32>
      %swap3A_225 = arith.index_cast %scan3A_99 : i32 to index
      %swap3A_226 = arith.constant 64 : index
      %swap3A_227 = tpu.vector_load %arg8[%swap3A_225, %swap3A_226] {strides = array<i32>} : memref<112x128xi32, #tpu.memory_space<vmem>>, vector<1x16xi32>,
      %swap3A_228 = vector.shape_cast %swap3A_227 : vector<1x16xi32> to vector<16xi32>
      %swap3A_229 = vector.shape_cast %add3A_224 : vector<16xi32> to vector<1x16xi32>
      tpu.vector_store %arg8[%swap3A_225, %swap3A_226], %swap3A_229 {strides = array<i32>} : memref<112x128xi32, #tpu.memory_space<vmem>>, vector<1x16xi32>,
      %get3A_230 = arith.index_cast %scan3A_99 : i32 to index
      %get3A_231 = arith.constant 80 : index
      %get3A_232 = tpu.vector_load %arg8[%get3A_230, %get3A_231] {strides = array<i32>} : memref<112x128xi32, #tpu.memory_space<vmem>>, vector<1x16xi32>,
      %get3A_233 = vector.shape_cast %get3A_232 : vector<1x16xi32> to vector<16xi32>
      %shift_right_logical3A_234 = arith.constant 13 : i32
      %shift_right_logical3A_235 = vector.broadcast %shift_right_logical3A_234 : i32 to vector<16xi32>
      %shift_right_logical3A_236 = arith.shrui %get3A_233, %shift_right_logical3A_235 : vector<16xi32>
      %shift_left3A_237 = arith.constant 15 : i32
      %shift_left3A_238 = vector.broadcast %shift_left3A_237 : i32 to vector<16xi32>
      %shift_left3A_239 = arith.shli %shift_right_logical3A_236, %shift_left3A_238 : vector<16xi32>
      %and3A_240 = arith.constant 8191 : i32
      %and3A_241 = vector.broadcast %and3A_240 : i32 to vector<16xi32>
      %and3A_242 = arith.andi %get3A_233, %and3A_241 : vector<16xi32>
      %shift_left3A_243 = arith.constant 2 : i32
      %shift_left3A_244 = vector.broadcast %shift_left3A_243 : i32 to vector<16xi32>
      %shift_left3A_245 = arith.shli %and3A_242, %shift_left3A_244 : vector<16xi32>
      %add3A_246 = arith.addi %shift_left3A_239, %shift_left3A_245 : vector<16xi32>
      %get3A_247 = arith.index_cast %scan3A_99 : i32 to index
      %get3A_248 = arith.constant 80 : index
      %get3A_249 = tpu.vector_load %arg9[%get3A_247, %get3A_248] {strides = array<i32>} : memref<112x128xi32, #tpu.memory_space<vmem>>, vector<1x16xi32>,
      %get3A_250 = vector.shape_cast %get3A_249 : vector<1x16xi32> to vector<16xi32>
      %add3A_251 = arith.addi %add3A_246, %get3A_250 : vector<16xi32>
      %swap3A_252 = arith.index_cast %scan3A_99 : i32 to index
      %swap3A_253 = arith.constant 80 : index
      %swap3A_254 = tpu.vector_load %arg8[%swap3A_252, %swap3A_253] {strides = array<i32>} : memref<112x128xi32, #tpu.memory_space<vmem>>, vector<1x16xi32>,
      %swap3A_255 = vector.shape_cast %swap3A_254 : vector<1x16xi32> to vector<16xi32>
      %swap3A_256 = vector.shape_cast %add3A_251 : vector<16xi32> to vector<1x16xi32>
      tpu.vector_store %arg8[%swap3A_252, %swap3A_253], %swap3A_256 {strides = array<i32>} : memref<112x128xi32, #tpu.memory_space<vmem>>, vector<1x16xi32>,
      %get3A_257 = arith.index_cast %scan3A_99 : i32 to index
      %get3A_258 = arith.constant 96 : index
      %get3A_259 = tpu.vector_load %arg8[%get3A_257, %get3A_258] {strides = array<i32>} : memref<112x128xi32, #tpu.memory_space<vmem>>, vector<1x16xi32>,
      %get3A_260 = vector.shape_cast %get3A_259 : vector<1x16xi32> to vector<16xi32>
      %shift_right_logical3A_261 = arith.constant 13 : i32
      %shift_right_logical3A_262 = vector.broadcast %shift_right_logical3A_261 : i32 to vector<16xi32>
      %shift_right_logical3A_263 = arith.shrui %get3A_260, %shift_right_logical3A_262 : vector<16xi32>
      %shift_left3A_264 = arith.constant 15 : i32
      %shift_left3A_265 = vector.broadcast %shift_left3A_264 : i32 to vector<16xi32>
      %shift_left3A_266 = arith.shli %shift_right_logical3A_263, %shift_left3A_265 : vector<16xi32>
      %and3A_267 = arith.constant 8191 : i32
      %and3A_268 = vector.broadcast %and3A_267 : i32 to vector<16xi32>
      %and3A_269 = arith.andi %get3A_260, %and3A_268 : vector<16xi32>
      %shift_left3A_270 = arith.constant 2 : i32
      %shift_left3A_271 = vector.broadcast %shift_left3A_270 : i32 to vector<16xi32>
      %shift_left3A_272 = arith.shli %and3A_269, %shift_left3A_271 : vector<16xi32>
      %add3A_273 = arith.addi %shift_left3A_266, %shift_left3A_272 : vector<16xi32>
      %get3A_274 = arith.index_cast %scan3A_99 : i32 to index
      %get3A_275 = arith.constant 96 : index
      %get3A_276 = tpu.vector_load %arg9[%get3A_274, %get3A_275] {strides = array<i32>} : memref<112x128xi32, #tpu.memory_space<vmem>>, vector<1x16xi32>,
      %get3A_277 = vector.shape_cast %get3A_276 : vector<1x16xi32> to vector<16xi32>
      %add3A_278 = arith.addi %add3A_273, %get3A_277 : vector<16xi32>
      %swap3A_279 = arith.index_cast %scan3A_99 : i32 to index
      %swap3A_280 = arith.constant 96 : index
      %swap3A_281 = tpu.vector_load %arg8[%swap3A_279, %swap3A_280] {strides = array<i32>} : memref<112x128xi32, #tpu.memory_space<vmem>>, vector<1x16xi32>,
      %swap3A_282 = vector.shape_cast %swap3A_281 : vector<1x16xi32> to vector<16xi32>
      %swap3A_283 = vector.shape_cast %add3A_278 : vector<16xi32> to vector<1x16xi32>
      tpu.vector_store %arg8[%swap3A_279, %swap3A_280], %swap3A_283 {strides = array<i32>} : memref<112x128xi32, #tpu.memory_space<vmem>>, vector<1x16xi32>,
      %get3A_284 = arith.index_cast %scan3A_99 : i32 to index
      %get3A_285 = arith.constant 112 : index
      %get3A_286 = tpu.vector_load %arg8[%get3A_284, %get3A_285] {strides = array<i32>} : memref<112x128xi32, #tpu.memory_space<vmem>>, vector<1x16xi32>,
      %get3A_287 = vector.shape_cast %get3A_286 : vector<1x16xi32> to vector<16xi32>
      %shift_right_logical3A_288 = arith.constant 13 : i32
      %shift_right_logical3A_289 = vector.broadcast %shift_right_logical3A_288 : i32 to vector<16xi32>
      %shift_right_logical3A_290 = arith.shrui %get3A_287, %shift_right_logical3A_289 : vector<16xi32>
      %shift_left3A_291 = arith.constant 15 : i32
      %shift_left3A_292 = vector.broadcast %shift_left3A_291 : i32 to vector<16xi32>
      %shift_left3A_293 = arith.shli %shift_right_logical3A_290, %shift_left3A_292 : vector<16xi32>
      %and3A_294 = arith.constant 8191 : i32
      %and3A_295 = vector.broadcast %and3A_294 : i32 to vector<16xi32>
      %and3A_296 = arith.andi %get3A_287, %and3A_295 : vector<16xi32>
      %shift_left3A_297 = arith.constant 2 : i32
      %shift_left3A_298 = vector.broadcast %shift_left3A_297 : i32 to vector<16xi32>
      %shift_left3A_299 = arith.shli %and3A_296, %shift_left3A_298 : vector<16xi32>
      %add3A_300 = arith.addi %shift_left3A_293, %shift_left3A_299 : vector<16xi32>
      %get3A_301 = arith.index_cast %scan3A_99 : i32 to index
      %get3A_302 = arith.constant 112 : index
      %get3A_303 = tpu.vector_load %arg9[%get3A_301, %get3A_302] {strides = array<i32>} : memref<112x128xi32, #tpu.memory_space<vmem>>, vector<1x16xi32>,
      %get3A_304 = vector.shape_cast %get3A_303 : vector<1x16xi32> to vector<16xi32>
      %add3A_305 = arith.addi %add3A_300, %get3A_304 : vector<16xi32>
      %swap3A_306 = arith.index_cast %scan3A_99 : i32 to index
      %swap3A_307 = arith.constant 112 : index
      %swap3A_308 = tpu.vector_load %arg8[%swap3A_306, %swap3A_307] {strides = array<i32>} : memref<112x128xi32, #tpu.memory_space<vmem>>, vector<1x16xi32>,
      %swap3A_309 = vector.shape_cast %swap3A_308 : vector<1x16xi32> to vector<16xi32>
      %swap3A_310 = vector.shape_cast %add3A_305 : vector<16xi32> to vector<1x16xi32>
      tpu.vector_store %arg8[%swap3A_306, %swap3A_307], %swap3A_310 {strides = array<i32>} : memref<112x128xi32, #tpu.memory_space<vmem>>, vector<1x16xi32>,
    }
    %scan3A_11 = arith.constant 112 : i32
    %mul3A_12 = arith.constant 14336 : i32
    %mul3A_13 = arith.muli %add3A, %mul3A_12 : i32
    %dma_start3A = arith.constant 0 : i32
    %dma_start3A_14 = arith.constant 0 : i32
    %dma_start3A_15 = arith.constant 0 : i32
    %dma_start3A_16 = tpu.memref_slice %arg10[%dma_start3A_14, %dma_start3A_15] : memref<1024x32xf32, #tpu.memory_space<vmem>> -> memref<128x32xf32, #tpu.memory_space<vmem>>
    %dma_start3A_17 = arith.constant 0 : i32
    %dma_start3A_18 = tpu.memref_slice %arg8[%dma_start3A, %dma_start3A_17] : memref<112x128xi32, #tpu.memory_space<vmem>> -> memref<1x128xi32, #tpu.memory_space<vmem>>
    %dma_start3A_19 = tpu.memref_squeeze %dma_start3A_18 : memref<1x128xi32, #tpu.memory_space<vmem>> -> memref<128xi32, #tpu.memory_space<vmem>>
    %dma_start3A_20 = arith.constant 0 : i32
    %dma_start3A_21 = arith.constant 0 : i32
    %dma_start3A_22 = tpu.memref_slice %arg2[%dma_start3A_20, %dma_start3A_21] : memref<2981888x32xf32, #tpu.memory_space<hbm>> -> memref<2981888x32xf32, #tpu.memory_space<hbm>>
    tpu.enqueue_indirect_dma source(%dma_start3A_22 : memref<2981888x32xf32, #tpu.memory_space<hbm>>) target(%dma_start3A_16 : memref<128x32xf32, #tpu.memory_space<vmem>>) offsets(%dma_start3A_19 : memref<128xi32, #tpu.memory_space<vmem>>) semaphore(%arg12 : memref<!tpu.dma_semaphore, #tpu.memory_space<semaphore_mem>>)
    %dma_start3A_23 = arith.constant 1 : i32
    %dma_start3A_24 = arith.constant 128 : i32
    %dma_start3A_25 = arith.constant 0 : i32
    %dma_start3A_26 = tpu.memref_slice %arg10[%dma_start3A_24, %dma_start3A_25] : memref<1024x32xf32, #tpu.memory_space<vmem>> -> memref<128x32xf32, #tpu.memory_space<vmem>>
    %dma_start3A_27 = arith.constant 0 : i32
    %dma_start3A_28 = tpu.memref_slice %arg8[%dma_start3A_23, %dma_start3A_27] : memref<112x128xi32, #tpu.memory_space<vmem>> -> memref<1x128xi32, #tpu.memory_space<vmem>>
    %dma_start3A_29 = tpu.memref_squeeze %dma_start3A_28 : memref<1x128xi32, #tpu.memory_space<vmem>> -> memref<128xi32, #tpu.memory_space<vmem>>
    %dma_start3A_30 = arith.constant 0 : i32
    %dma_start3A_31 = arith.constant 0 : i32
    %dma_start3A_32 = tpu.memref_slice %arg2[%dma_start3A_30, %dma_start3A_31] : memref<2981888x32xf32, #tpu.memory_space<hbm>> -> memref<2981888x32xf32, #tpu.memory_space<hbm>>
    tpu.enqueue_indirect_dma source(%dma_start3A_32 : memref<2981888x32xf32, #tpu.memory_space<hbm>>) target(%dma_start3A_26 : memref<128x32xf32, #tpu.memory_space<vmem>>) offsets(%dma_start3A_29 : memref<128xi32, #tpu.memory_space<vmem>>) semaphore(%arg12 : memref<!tpu.dma_semaphore, #tpu.memory_space<semaphore_mem>>)
    %dma_start3A_33 = arith.constant 2 : i32
    %dma_start3A_34 = arith.constant 256 : i32
    %dma_start3A_35 = arith.constant 0 : i32
    %dma_start3A_36 = tpu.memref_slice %arg10[%dma_start3A_34, %dma_start3A_35] : memref<1024x32xf32, #tpu.memory_space<vmem>> -> memref<128x32xf32, #tpu.memory_space<vmem>>
    %dma_start3A_37 = arith.constant 0 : i32
    %dma_start3A_38 = tpu.memref_slice %arg8[%dma_start3A_33, %dma_start3A_37] : memref<112x128xi32, #tpu.memory_space<vmem>> -> memref<1x128xi32, #tpu.memory_space<vmem>>
    %dma_start3A_39 = tpu.memref_squeeze %dma_start3A_38 : memref<1x128xi32, #tpu.memory_space<vmem>> -> memref<128xi32, #tpu.memory_space<vmem>>
    %dma_start3A_40 = arith.constant 0 : i32
    %dma_start3A_41 = arith.constant 0 : i32
    %dma_start3A_42 = tpu.memref_slice %arg2[%dma_start3A_40, %dma_start3A_41] : memref<2981888x32xf32, #tpu.memory_space<hbm>> -> memref<2981888x32xf32, #tpu.memory_space<hbm>>
    tpu.enqueue_indirect_dma source(%dma_start3A_42 : memref<2981888x32xf32, #tpu.memory_space<hbm>>) target(%dma_start3A_36 : memref<128x32xf32, #tpu.memory_space<vmem>>) offsets(%dma_start3A_39 : memref<128xi32, #tpu.memory_space<vmem>>) semaphore(%arg12 : memref<!tpu.dma_semaphore, #tpu.memory_space<semaphore_mem>>)
    %dma_start3A_43 = arith.constant 3 : i32
    %dma_start3A_44 = arith.constant 384 : i32
    %dma_start3A_45 = arith.constant 0 : i32
    %dma_start3A_46 = tpu.memref_slice %arg10[%dma_start3A_44, %dma_start3A_45] : memref<1024x32xf32, #tpu.memory_space<vmem>> -> memref<128x32xf32, #tpu.memory_space<vmem>>
    %dma_start3A_47 = arith.constant 0 : i32
    %dma_start3A_48 = tpu.memref_slice %arg8[%dma_start3A_43, %dma_start3A_47] : memref<112x128xi32, #tpu.memory_space<vmem>> -> memref<1x128xi32, #tpu.memory_space<vmem>>
    %dma_start3A_49 = tpu.memref_squeeze %dma_start3A_48 : memref<1x128xi32, #tpu.memory_space<vmem>> -> memref<128xi32, #tpu.memory_space<vmem>>
    %dma_start3A_50 = arith.constant 0 : i32
    %dma_start3A_51 = arith.constant 0 : i32
    %dma_start3A_52 = tpu.memref_slice %arg2[%dma_start3A_50, %dma_start3A_51] : memref<2981888x32xf32, #tpu.memory_space<hbm>> -> memref<2981888x32xf32, #tpu.memory_space<hbm>>
    tpu.enqueue_indirect_dma source(%dma_start3A_52 : memref<2981888x32xf32, #tpu.memory_space<hbm>>) target(%dma_start3A_46 : memref<128x32xf32, #tpu.memory_space<vmem>>) offsets(%dma_start3A_49 : memref<128xi32, #tpu.memory_space<vmem>>) semaphore(%arg12 : memref<!tpu.dma_semaphore, #tpu.memory_space<semaphore_mem>>)
    %dma_start3A_53 = arith.constant 4 : i32
    %dma_start3A_54 = arith.constant 512 : i32
    %dma_start3A_55 = arith.constant 0 : i32
    %dma_start3A_56 = tpu.memref_slice %arg10[%dma_start3A_54, %dma_start3A_55] : memref<1024x32xf32, #tpu.memory_space<vmem>> -> memref<128x32xf32, #tpu.memory_space<vmem>>
    %dma_start3A_57 = arith.constant 0 : i32
    %dma_start3A_58 = tpu.memref_slice %arg8[%dma_start3A_53, %dma_start3A_57] : memref<112x128xi32, #tpu.memory_space<vmem>> -> memref<1x128xi32, #tpu.memory_space<vmem>>
    %dma_start3A_59 = tpu.memref_squeeze %dma_start3A_58 : memref<1x128xi32, #tpu.memory_space<vmem>> -> memref<128xi32, #tpu.memory_space<vmem>>
    %dma_start3A_60 = arith.constant 0 : i32
    %dma_start3A_61 = arith.constant 0 : i32
    %dma_start3A_62 = tpu.memref_slice %arg2[%dma_start3A_60, %dma_start3A_61] : memref<2981888x32xf32, #tpu.memory_space<hbm>> -> memref<2981888x32xf32, #tpu.memory_space<hbm>>
    tpu.enqueue_indirect_dma source(%dma_start3A_62 : memref<2981888x32xf32, #tpu.memory_space<hbm>>) target(%dma_start3A_56 : memref<128x32xf32, #tpu.memory_space<vmem>>) offsets(%dma_start3A_59 : memref<128xi32, #tpu.memory_space<vmem>>) semaphore(%arg12 : memref<!tpu.dma_semaphore, #tpu.memory_space<semaphore_mem>>)
    %dma_start3A_63 = arith.constant 5 : i32
    %dma_start3A_64 = arith.constant 640 : i32
    %dma_start3A_65 = arith.constant 0 : i32
    %dma_start3A_66 = tpu.memref_slice %arg10[%dma_start3A_64, %dma_start3A_65] : memref<1024x32xf32, #tpu.memory_space<vmem>> -> memref<128x32xf32, #tpu.memory_space<vmem>>
    %dma_start3A_67 = arith.constant 0 : i32
    %dma_start3A_68 = tpu.memref_slice %arg8[%dma_start3A_63, %dma_start3A_67] : memref<112x128xi32, #tpu.memory_space<vmem>> -> memref<1x128xi32, #tpu.memory_space<vmem>>
    %dma_start3A_69 = tpu.memref_squeeze %dma_start3A_68 : memref<1x128xi32, #tpu.memory_space<vmem>> -> memref<128xi32, #tpu.memory_space<vmem>>
    %dma_start3A_70 = arith.constant 0 : i32
    %dma_start3A_71 = arith.constant 0 : i32
    %dma_start3A_72 = tpu.memref_slice %arg2[%dma_start3A_70, %dma_start3A_71] : memref<2981888x32xf32, #tpu.memory_space<hbm>> -> memref<2981888x32xf32, #tpu.memory_space<hbm>>
    tpu.enqueue_indirect_dma source(%dma_start3A_72 : memref<2981888x32xf32, #tpu.memory_space<hbm>>) target(%dma_start3A_66 : memref<128x32xf32, #tpu.memory_space<vmem>>) offsets(%dma_start3A_69 : memref<128xi32, #tpu.memory_space<vmem>>) semaphore(%arg12 : memref<!tpu.dma_semaphore, #tpu.memory_space<semaphore_mem>>)
    %dma_start3A_73 = arith.constant 6 : i32
    %dma_start3A_74 = arith.constant 768 : i32
    %dma_start3A_75 = arith.constant 0 : i32
    %dma_start3A_76 = tpu.memref_slice %arg10[%dma_start3A_74, %dma_start3A_75] : memref<1024x32xf32, #tpu.memory_space<vmem>> -> memref<128x32xf32, #tpu.memory_space<vmem>>
    %dma_start3A_77 = arith.constant 0 : i32
    %dma_start3A_78 = tpu.memref_slice %arg8[%dma_start3A_73, %dma_start3A_77] : memref<112x128xi32, #tpu.memory_space<vmem>> -> memref<1x128xi32, #tpu.memory_space<vmem>>
    %dma_start3A_79 = tpu.memref_squeeze %dma_start3A_78 : memref<1x128xi32, #tpu.memory_space<vmem>> -> memref<128xi32, #tpu.memory_space<vmem>>
    %dma_start3A_80 = arith.constant 0 : i32
    %dma_start3A_81 = arith.constant 0 : i32
    %dma_start3A_82 = tpu.memref_slice %arg2[%dma_start3A_80, %dma_start3A_81] : memref<2981888x32xf32, #tpu.memory_space<hbm>> -> memref<2981888x32xf32, #tpu.memory_space<hbm>>
    tpu.enqueue_indirect_dma source(%dma_start3A_82 : memref<2981888x32xf32, #tpu.memory_space<hbm>>) target(%dma_start3A_76 : memref<128x32xf32, #tpu.memory_space<vmem>>) offsets(%dma_start3A_79 : memref<128xi32, #tpu.memory_space<vmem>>) semaphore(%arg12 : memref<!tpu.dma_semaphore, #tpu.memory_space<semaphore_mem>>)
    %dma_start3A_83 = arith.constant 7 : i32
    %dma_start3A_84 = arith.constant 896 : i32
    %dma_start3A_85 = arith.constant 0 : i32
    %dma_start3A_86 = tpu.memref_slice %arg10[%dma_start3A_84, %dma_start3A_85] : memref<1024x32xf32, #tpu.memory_space<vmem>> -> memref<128x32xf32, #tpu.memory_space<vmem>>
    %dma_start3A_87 = arith.constant 0 : i32
    %dma_start3A_88 = tpu.memref_slice %arg8[%dma_start3A_83, %dma_start3A_87] : memref<112x128xi32, #tpu.memory_space<vmem>> -> memref<1x128xi32, #tpu.memory_space<vmem>>
    %dma_start3A_89 = tpu.memref_squeeze %dma_start3A_88 : memref<1x128xi32, #tpu.memory_space<vmem>> -> memref<128xi32, #tpu.memory_space<vmem>>
    %dma_start3A_90 = arith.constant 0 : i32
    %dma_start3A_91 = arith.constant 0 : i32
    %dma_start3A_92 = tpu.memref_slice %arg2[%dma_start3A_90, %dma_start3A_91] : memref<2981888x32xf32, #tpu.memory_space<hbm>> -> memref<2981888x32xf32, #tpu.memory_space<hbm>>
    tpu.enqueue_indirect_dma source(%dma_start3A_92 : memref<2981888x32xf32, #tpu.memory_space<hbm>>) target(%dma_start3A_86 : memref<128x32xf32, #tpu.memory_space<vmem>>) offsets(%dma_start3A_89 : memref<128xi32, #tpu.memory_space<vmem>>) semaphore(%arg12 : memref<!tpu.dma_semaphore, #tpu.memory_space<semaphore_mem>>)
    %scan3A_93 = arith.constant 0 : i32
    %scan3A_94 = arith.constant 0 : i32
    %scan3A_95 = arith.constant 7 : i32
    %scan3A_96 = arith.addi %scan3A_94, %scan3A_95 : i32
    %scan3A_97 = arith.constant 1 : i32
    scf.for %scan3A_99 = %scan3A_94 to %scan3A_96 step %scan3A_97  : i32 {
      %mul3A_100 = arith.constant 2 : i32
      %mul3A_101 = arith.muli %mul3A_100, %scan3A_99 : i32
      %mul3A_102 = arith.constant 8 : i32
      %mul3A_103 = arith.muli %mul3A_101, %mul3A_102 : i32
      %add3A_104 = arith.constant 0 : i32
      %add3A_105 = arith.addi %mul3A_103, %add3A_104 : i32
      %dma_wait3A = arith.constant 0 : i32
      %dma_wait3A_106 = arith.constant 0 : i32
      %dma_wait3A_107 = tpu.memref_slice %arg10[%dma_wait3A, %dma_wait3A_106] : memref<1024x32xf32, #tpu.memory_space<vmem>> -> memref<128x32xf32, #tpu.memory_space<vmem>>
      %dma_wait3A_108 = arith.constant 0 : i32
      %dma_wait3A_109 = tpu.memref_slice %arg8[%add3A_105, %dma_wait3A_108] : memref<112x128xi32, #tpu.memory_space<vmem>> -> memref<1x128xi32, #tpu.memory_space<vmem>>
      %dma_wait3A_110 = tpu.memref_squeeze %dma_wait3A_109 : memref<1x128xi32, #tpu.memory_space<vmem>> -> memref<128xi32, #tpu.memory_space<vmem>>
      %dma_wait3A_111 = arith.constant 0 : i32
      %dma_wait3A_112 = arith.constant 0 : i32
      %dma_wait3A_113 = tpu.memref_slice %arg2[%dma_wait3A_111, %dma_wait3A_112] : memref<2981888x32xf32, #tpu.memory_space<hbm>> -> memref<2981888x32xf32, #tpu.memory_space<hbm>>
      tpu.wait_indirect_dma semaphore(%arg12 : memref<!tpu.dma_semaphore, #tpu.memory_space<semaphore_mem>>) src(%dma_wait3A_113 : memref<2981888x32xf32, #tpu.memory_space<hbm>>) dst(%dma_wait3A_107 : memref<128x32xf32, #tpu.memory_space<vmem>>)
      %mul3A_114 = arith.constant 8 : i32
      %mul3A_115 = arith.muli %mul3A_101, %mul3A_114 : i32
      %add3A_116 = arith.constant 1 : i32
      %add3A_117 = arith.addi %mul3A_115, %add3A_116 : i32
      %dma_wait3A_118 = arith.constant 128 : i32
      %dma_wait3A_119 = arith.constant 0 : i32
      %dma_wait3A_120 = tpu.memref_slice %arg10[%dma_wait3A_118, %dma_wait3A_119] : memref<1024x32xf32, #tpu.memory_space<vmem>> -> memref<128x32xf32, #tpu.memory_space<vmem>>
      %dma_wait3A_121 = arith.constant 0 : i32
      %dma_wait3A_122 = tpu.memref_slice %arg8[%add3A_117, %dma_wait3A_121] : memref<112x128xi32, #tpu.memory_space<vmem>> -> memref<1x128xi32, #tpu.memory_space<vmem>>
      %dma_wait3A_123 = tpu.memref_squeeze %dma_wait3A_122 : memref<1x128xi32, #tpu.memory_space<vmem>> -> memref<128xi32, #tpu.memory_space<vmem>>
      %dma_wait3A_124 = arith.constant 0 : i32
      %dma_wait3A_125 = arith.constant 0 : i32
      %dma_wait3A_126 = tpu.memref_slice %arg2[%dma_wait3A_124, %dma_wait3A_125] : memref<2981888x32xf32, #tpu.memory_space<hbm>> -> memref<2981888x32xf32, #tpu.memory_space<hbm>>
      tpu.wait_indirect_dma semaphore(%arg12 : memref<!tpu.dma_semaphore, #tpu.memory_space<semaphore_mem>>) src(%dma_wait3A_126 : memref<2981888x32xf32, #tpu.memory_space<hbm>>) dst(%dma_wait3A_120 : memref<128x32xf32, #tpu.memory_space<vmem>>)
      %mul3A_127 = arith.constant 8 : i32
      %mul3A_128 = arith.muli %mul3A_101, %mul3A_127 : i32
      %add3A_129 = arith.constant 2 : i32
      %add3A_130 = arith.addi %mul3A_128, %add3A_129 : i32
      %dma_wait3A_131 = arith.constant 256 : i32
      %dma_wait3A_132 = arith.constant 0 : i32
      %dma_wait3A_133 = tpu.memref_slice %arg10[%dma_wait3A_131, %dma_wait3A_132] : memref<1024x32xf32, #tpu.memory_space<vmem>> -> memref<128x32xf32, #tpu.memory_space<vmem>>
      %dma_wait3A_134 = arith.constant 0 : i32
      %dma_wait3A_135 = tpu.memref_slice %arg8[%add3A_130, %dma_wait3A_134] : memref<112x128xi32, #tpu.memory_space<vmem>> -> memref<1x128xi32, #tpu.memory_space<vmem>>
      %dma_wait3A_136 = tpu.memref_squeeze %dma_wait3A_135 : memref<1x128xi32, #tpu.memory_space<vmem>> -> memref<128xi32, #tpu.memory_space<vmem>>
      %dma_wait3A_137 = arith.constant 0 : i32
      %dma_wait3A_138 = arith.constant 0 : i32
      %dma_wait3A_139 = tpu.memref_slice %arg2[%dma_wait3A_137, %dma_wait3A_138] : memref<2981888x32xf32, #tpu.memory_space<hbm>> -> memref<2981888x32xf32, #tpu.memory_space<hbm>>
      tpu.wait_indirect_dma semaphore(%arg12 : memref<!tpu.dma_semaphore, #tpu.memory_space<semaphore_mem>>) src(%dma_wait3A_139 : memref<2981888x32xf32, #tpu.memory_space<hbm>>) dst(%dma_wait3A_133 : memref<128x32xf32, #tpu.memory_space<vmem>>)
      %mul3A_140 = arith.constant 8 : i32
      %mul3A_141 = arith.muli %mul3A_101, %mul3A_140 : i32
      %add3A_142 = arith.constant 3 : i32
      %add3A_143 = arith.addi %mul3A_141, %add3A_142 : i32
      %dma_wait3A_144 = arith.constant 384 : i32
      %dma_wait3A_145 = arith.constant 0 : i32
      %dma_wait3A_146 = tpu.memref_slice %arg10[%dma_wait3A_144, %dma_wait3A_145] : memref<1024x32xf32, #tpu.memory_space<vmem>> -> memref<128x32xf32, #tpu.memory_space<vmem>>
      %dma_wait3A_147 = arith.constant 0 : i32
      %dma_wait3A_148 = tpu.memref_slice %arg8[%add3A_143, %dma_wait3A_147] : memref<112x128xi32, #tpu.memory_space<vmem>> -> memref<1x128xi32, #tpu.memory_space<vmem>>
      %dma_wait3A_149 = tpu.memref_squeeze %dma_wait3A_148 : memref<1x128xi32, #tpu.memory_space<vmem>> -> memref<128xi32, #tpu.memory_space<vmem>>
      %dma_wait3A_150 = arith.constant 0 : i32
      %dma_wait3A_151 = arith.constant 0 : i32
      %dma_wait3A_152 = tpu.memref_slice %arg2[%dma_wait3A_150, %dma_wait3A_151] : memref<2981888x32xf32, #tpu.memory_space<hbm>> -> memref<2981888x32xf32, #tpu.memory_space<hbm>>
      tpu.wait_indirect_dma semaphore(%arg12 : memref<!tpu.dma_semaphore, #tpu.memory_space<semaphore_mem>>) src(%dma_wait3A_152 : memref<2981888x32xf32, #tpu.memory_space<hbm>>) dst(%dma_wait3A_146 : memref<128x32xf32, #tpu.memory_space<vmem>>)
      %mul3A_153 = arith.constant 8 : i32
      %mul3A_154 = arith.muli %mul3A_101, %mul3A_153 : i32
      %add3A_155 = arith.constant 4 : i32
      %add3A_156 = arith.addi %mul3A_154, %add3A_155 : i32
      %dma_wait3A_157 = arith.constant 512 : i32
      %dma_wait3A_158 = arith.constant 0 : i32
      %dma_wait3A_159 = tpu.memref_slice %arg10[%dma_wait3A_157, %dma_wait3A_158] : memref<1024x32xf32, #tpu.memory_space<vmem>> -> memref<128x32xf32, #tpu.memory_space<vmem>>
      %dma_wait3A_160 = arith.constant 0 : i32
      %dma_wait3A_161 = tpu.memref_slice %arg8[%add3A_156, %dma_wait3A_160] : memref<112x128xi32, #tpu.memory_space<vmem>> -> memref<1x128xi32, #tpu.memory_space<vmem>>
      %dma_wait3A_162 = tpu.memref_squeeze %dma_wait3A_161 : memref<1x128xi32, #tpu.memory_space<vmem>> -> memref<128xi32, #tpu.memory_space<vmem>>
      %dma_wait3A_163 = arith.constant 0 : i32
      %dma_wait3A_164 = arith.constant 0 : i32
      %dma_wait3A_165 = tpu.memref_slice %arg2[%dma_wait3A_163, %dma_wait3A_164] : memref<2981888x32xf32, #tpu.memory_space<hbm>> -> memref<2981888x32xf32, #tpu.memory_space<hbm>>
      tpu.wait_indirect_dma semaphore(%arg12 : memref<!tpu.dma_semaphore, #tpu.memory_space<semaphore_mem>>) src(%dma_wait3A_165 : memref<2981888x32xf32, #tpu.memory_space<hbm>>) dst(%dma_wait3A_159 : memref<128x32xf32, #tpu.memory_space<vmem>>)
      %mul3A_166 = arith.constant 8 : i32
      %mul3A_167 = arith.muli %mul3A_101, %mul3A_166 : i32
      %add3A_168 = arith.constant 5 : i32
      %add3A_169 = arith.addi %mul3A_167, %add3A_168 : i32
      %dma_wait3A_170 = arith.constant 640 : i32
      %dma_wait3A_171 = arith.constant 0 : i32
      %dma_wait3A_172 = tpu.memref_slice %arg10[%dma_wait3A_170, %dma_wait3A_171] : memref<1024x32xf32, #tpu.memory_space<vmem>> -> memref<128x32xf32, #tpu.memory_space<vmem>>
      %dma_wait3A_173 = arith.constant 0 : i32
      %dma_wait3A_174 = tpu.memref_slice %arg8[%add3A_169, %dma_wait3A_173] : memref<112x128xi32, #tpu.memory_space<vmem>> -> memref<1x128xi32, #tpu.memory_space<vmem>>
      %dma_wait3A_175 = tpu.memref_squeeze %dma_wait3A_174 : memref<1x128xi32, #tpu.memory_space<vmem>> -> memref<128xi32, #tpu.memory_space<vmem>>
      %dma_wait3A_176 = arith.constant 0 : i32
      %dma_wait3A_177 = arith.constant 0 : i32
      %dma_wait3A_178 = tpu.memref_slice %arg2[%dma_wait3A_176, %dma_wait3A_177] : memref<2981888x32xf32, #tpu.memory_space<hbm>> -> memref<2981888x32xf32, #tpu.memory_space<hbm>>
      tpu.wait_indirect_dma semaphore(%arg12 : memref<!tpu.dma_semaphore, #tpu.memory_space<semaphore_mem>>) src(%dma_wait3A_178 : memref<2981888x32xf32, #tpu.memory_space<hbm>>) dst(%dma_wait3A_172 : memref<128x32xf32, #tpu.memory_space<vmem>>)
      %mul3A_179 = arith.constant 8 : i32
      %mul3A_180 = arith.muli %mul3A_101, %mul3A_179 : i32
      %add3A_181 = arith.constant 6 : i32
      %add3A_182 = arith.addi %mul3A_180, %add3A_181 : i32
      %dma_wait3A_183 = arith.constant 768 : i32
      %dma_wait3A_184 = arith.constant 0 : i32
      %dma_wait3A_185 = tpu.memref_slice %arg10[%dma_wait3A_183, %dma_wait3A_184] : memref<1024x32xf32, #tpu.memory_space<vmem>> -> memref<128x32xf32, #tpu.memory_space<vmem>>
      %dma_wait3A_186 = arith.constant 0 : i32
      %dma_wait3A_187 = tpu.memref_slice %arg8[%add3A_182, %dma_wait3A_186] : memref<112x128xi32, #tpu.memory_space<vmem>> -> memref<1x128xi32, #tpu.memory_space<vmem>>
      %dma_wait3A_188 = tpu.memref_squeeze %dma_wait3A_187 : memref<1x128xi32, #tpu.memory_space<vmem>> -> memref<128xi32, #tpu.memory_space<vmem>>
      %dma_wait3A_189 = arith.constant 0 : i32
      %dma_wait3A_190 = arith.constant 0 : i32
      %dma_wait3A_191 = tpu.memref_slice %arg2[%dma_wait3A_189, %dma_wait3A_190] : memref<2981888x32xf32, #tpu.memory_space<hbm>> -> memref<2981888x32xf32, #tpu.memory_space<hbm>>
      tpu.wait_indirect_dma semaphore(%arg12 : memref<!tpu.dma_semaphore, #tpu.memory_space<semaphore_mem>>) src(%dma_wait3A_191 : memref<2981888x32xf32, #tpu.memory_space<hbm>>) dst(%dma_wait3A_185 : memref<128x32xf32, #tpu.memory_space<vmem>>)
      %mul3A_192 = arith.constant 8 : i32
      %mul3A_193 = arith.muli %mul3A_101, %mul3A_192 : i32
      %add3A_194 = arith.constant 7 : i32
      %add3A_195 = arith.addi %mul3A_193, %add3A_194 : i32
      %dma_wait3A_196 = arith.constant 896 : i32
      %dma_wait3A_197 = arith.constant 0 : i32
      %dma_wait3A_198 = tpu.memref_slice %arg10[%dma_wait3A_196, %dma_wait3A_197] : memref<1024x32xf32, #tpu.memory_space<vmem>> -> memref<128x32xf32, #tpu.memory_space<vmem>>
      %dma_wait3A_199 = arith.constant 0 : i32
      %dma_wait3A_200 = tpu.memref_slice %arg8[%add3A_195, %dma_wait3A_199] : memref<112x128xi32, #tpu.memory_space<vmem>> -> memref<1x128xi32, #tpu.memory_space<vmem>>
      %dma_wait3A_201 = tpu.memref_squeeze %dma_wait3A_200 : memref<1x128xi32, #tpu.memory_space<vmem>> -> memref<128xi32, #tpu.memory_space<vmem>>
      %dma_wait3A_202 = arith.constant 0 : i32
      %dma_wait3A_203 = arith.constant 0 : i32
      %dma_wait3A_204 = tpu.memref_slice %arg2[%dma_wait3A_202, %dma_wait3A_203] : memref<2981888x32xf32, #tpu.memory_space<hbm>> -> memref<2981888x32xf32, #tpu.memory_space<hbm>>
      tpu.wait_indirect_dma semaphore(%arg12 : memref<!tpu.dma_semaphore, #tpu.memory_space<semaphore_mem>>) src(%dma_wait3A_204 : memref<2981888x32xf32, #tpu.memory_space<hbm>>) dst(%dma_wait3A_198 : memref<128x32xf32, #tpu.memory_space<vmem>>)
      %add3A_205 = arith.constant 1 : i32
      %add3A_206 = arith.addi %mul3A_101, %add3A_205 : i32
      %mul3A_207 = arith.constant 8 : i32
      %mul3A_208 = arith.muli %add3A_206, %mul3A_207 : i32
      %add3A_209 = arith.constant 0 : i32
      %add3A_210 = arith.addi %mul3A_208, %add3A_209 : i32
      %dma_start3A_211 = arith.constant 0 : i32
      %dma_start3A_212 = arith.constant 0 : i32
      %dma_start3A_213 = tpu.memref_slice %arg11[%dma_start3A_211, %dma_start3A_212] : memref<1024x32xf32, #tpu.memory_space<vmem>> -> memref<128x32xf32, #tpu.memory_space<vmem>>
      %dma_start3A_214 = arith.constant 0 : i32
      %dma_start3A_215 = tpu.memref_slice %arg8[%add3A_210, %dma_start3A_214] : memref<112x128xi32, #tpu.memory_space<vmem>> -> memref<1x128xi32, #tpu.memory_space<vmem>>
      %dma_start3A_216 = tpu.memref_squeeze %dma_start3A_215 : memref<1x128xi32, #tpu.memory_space<vmem>> -> memref<128xi32, #tpu.memory_space<vmem>>
      %dma_start3A_217 = arith.constant 0 : i32
      %dma_start3A_218 = arith.constant 0 : i32
      %dma_start3A_219 = tpu.memref_slice %arg2[%dma_start3A_217, %dma_start3A_218] : memref<2981888x32xf32, #tpu.memory_space<hbm>> -> memref<2981888x32xf32, #tpu.memory_space<hbm>>
      tpu.enqueue_indirect_dma source(%dma_start3A_219 : memref<2981888x32xf32, #tpu.memory_space<hbm>>) target(%dma_start3A_213 : memref<128x32xf32, #tpu.memory_space<vmem>>) offsets(%dma_start3A_216 : memref<128xi32, #tpu.memory_space<vmem>>) semaphore(%arg13 : memref<!tpu.dma_semaphore, #tpu.memory_space<semaphore_mem>>)
      %mul3A_220 = arith.constant 8 : i32
      %mul3A_221 = arith.muli %add3A_206, %mul3A_220 : i32
      %add3A_222 = arith.constant 1 : i32
      %add3A_223 = arith.addi %mul3A_221, %add3A_222 : i32
      %dma_start3A_224 = arith.constant 128 : i32
      %dma_start3A_225 = arith.constant 0 : i32
      %dma_start3A_226 = tpu.memref_slice %arg11[%dma_start3A_224, %dma_start3A_225] : memref<1024x32xf32, #tpu.memory_space<vmem>> -> memref<128x32xf32, #tpu.memory_space<vmem>>
      %dma_start3A_227 = arith.constant 0 : i32
      %dma_start3A_228 = tpu.memref_slice %arg8[%add3A_223, %dma_start3A_227] : memref<112x128xi32, #tpu.memory_space<vmem>> -> memref<1x128xi32, #tpu.memory_space<vmem>>
      %dma_start3A_229 = tpu.memref_squeeze %dma_start3A_228 : memref<1x128xi32, #tpu.memory_space<vmem>> -> memref<128xi32, #tpu.memory_space<vmem>>
      %dma_start3A_230 = arith.constant 0 : i32
      %dma_start3A_231 = arith.constant 0 : i32
      %dma_start3A_232 = tpu.memref_slice %arg2[%dma_start3A_230, %dma_start3A_231] : memref<2981888x32xf32, #tpu.memory_space<hbm>> -> memref<2981888x32xf32, #tpu.memory_space<hbm>>
      tpu.enqueue_indirect_dma source(%dma_start3A_232 : memref<2981888x32xf32, #tpu.memory_space<hbm>>) target(%dma_start3A_226 : memref<128x32xf32, #tpu.memory_space<vmem>>) offsets(%dma_start3A_229 : memref<128xi32, #tpu.memory_space<vmem>>) semaphore(%arg13 : memref<!tpu.dma_semaphore, #tpu.memory_space<semaphore_mem>>)
      %mul3A_233 = arith.constant 8 : i32
      %mul3A_234 = arith.muli %add3A_206, %mul3A_233 : i32
      %add3A_235 = arith.constant 2 : i32
      %add3A_236 = arith.addi %mul3A_234, %add3A_235 : i32
      %dma_start3A_237 = arith.constant 256 : i32
      %dma_start3A_238 = arith.constant 0 : i32
      %dma_start3A_239 = tpu.memref_slice %arg11[%dma_start3A_237, %dma_start3A_238] : memref<1024x32xf32, #tpu.memory_space<vmem>> -> memref<128x32xf32, #tpu.memory_space<vmem>>
      %dma_start3A_240 = arith.constant 0 : i32
      %dma_start3A_241 = tpu.memref_slice %arg8[%add3A_236, %dma_start3A_240] : memref<112x128xi32, #tpu.memory_space<vmem>> -> memref<1x128xi32, #tpu.memory_space<vmem>>
      %dma_start3A_242 = tpu.memref_squeeze %dma_start3A_241 : memref<1x128xi32, #tpu.memory_space<vmem>> -> memref<128xi32, #tpu.memory_space<vmem>>
      %dma_start3A_243 = arith.constant 0 : i32
      %dma_start3A_244 = arith.constant 0 : i32
      %dma_start3A_245 = tpu.memref_slice %arg2[%dma_start3A_243, %dma_start3A_244] : memref<2981888x32xf32, #tpu.memory_space<hbm>> -> memref<2981888x32xf32, #tpu.memory_space<hbm>>
      tpu.enqueue_indirect_dma source(%dma_start3A_245 : memref<2981888x32xf32, #tpu.memory_space<hbm>>) target(%dma_start3A_239 : memref<128x32xf32, #tpu.memory_space<vmem>>) offsets(%dma_start3A_242 : memref<128xi32, #tpu.memory_space<vmem>>) semaphore(%arg13 : memref<!tpu.dma_semaphore, #tpu.memory_space<semaphore_mem>>)
      %mul3A_246 = arith.constant 8 : i32
      %mul3A_247 = arith.muli %add3A_206, %mul3A_246 : i32
      %add3A_248 = arith.constant 3 : i32
      %add3A_249 = arith.addi %mul3A_247, %add3A_248 : i32
      %dma_start3A_250 = arith.constant 384 : i32
      %dma_start3A_251 = arith.constant 0 : i32
      %dma_start3A_252 = tpu.memref_slice %arg11[%dma_start3A_250, %dma_start3A_251] : memref<1024x32xf32, #tpu.memory_space<vmem>> -> memref<128x32xf32, #tpu.memory_space<vmem>>
      %dma_start3A_253 = arith.constant 0 : i32
      %dma_start3A_254 = tpu.memref_slice %arg8[%add3A_249, %dma_start3A_253] : memref<112x128xi32, #tpu.memory_space<vmem>> -> memref<1x128xi32, #tpu.memory_space<vmem>>
      %dma_start3A_255 = tpu.memref_squeeze %dma_start3A_254 : memref<1x128xi32, #tpu.memory_space<vmem>> -> memref<128xi32, #tpu.memory_space<vmem>>
      %dma_start3A_256 = arith.constant 0 : i32
      %dma_start3A_257 = arith.constant 0 : i32
      %dma_start3A_258 = tpu.memref_slice %arg2[%dma_start3A_256, %dma_start3A_257] : memref<2981888x32xf32, #tpu.memory_space<hbm>> -> memref<2981888x32xf32, #tpu.memory_space<hbm>>
      tpu.enqueue_indirect_dma source(%dma_start3A_258 : memref<2981888x32xf32, #tpu.memory_space<hbm>>) target(%dma_start3A_252 : memref<128x32xf32, #tpu.memory_space<vmem>>) offsets(%dma_start3A_255 : memref<128xi32, #tpu.memory_space<vmem>>) semaphore(%arg13 : memref<!tpu.dma_semaphore, #tpu.memory_space<semaphore_mem>>)
      %mul3A_259 = arith.constant 8 : i32
      %mul3A_260 = arith.muli %add3A_206, %mul3A_259 : i32
      %add3A_261 = arith.constant 4 : i32
      %add3A_262 = arith.addi %mul3A_260, %add3A_261 : i32
      %dma_start3A_263 = arith.constant 512 : i32
      %dma_start3A_264 = arith.constant 0 : i32
      %dma_start3A_265 = tpu.memref_slice %arg11[%dma_start3A_263, %dma_start3A_264] : memref<1024x32xf32, #tpu.memory_space<vmem>> -> memref<128x32xf32, #tpu.memory_space<vmem>>
      %dma_start3A_266 = arith.constant 0 : i32
      %dma_start3A_267 = tpu.memref_slice %arg8[%add3A_262, %dma_start3A_266] : memref<112x128xi32, #tpu.memory_space<vmem>> -> memref<1x128xi32, #tpu.memory_space<vmem>>
      %dma_start3A_268 = tpu.memref_squeeze %dma_start3A_267 : memref<1x128xi32, #tpu.memory_space<vmem>> -> memref<128xi32, #tpu.memory_space<vmem>>
      %dma_start3A_269 = arith.constant 0 : i32
      %dma_start3A_270 = arith.constant 0 : i32
      %dma_start3A_271 = tpu.memref_slice %arg2[%dma_start3A_269, %dma_start3A_270] : memref<2981888x32xf32, #tpu.memory_space<hbm>> -> memref<2981888x32xf32, #tpu.memory_space<hbm>>
      tpu.enqueue_indirect_dma source(%dma_start3A_271 : memref<2981888x32xf32, #tpu.memory_space<hbm>>) target(%dma_start3A_265 : memref<128x32xf32, #tpu.memory_space<vmem>>) offsets(%dma_start3A_268 : memref<128xi32, #tpu.memory_space<vmem>>) semaphore(%arg13 : memref<!tpu.dma_semaphore, #tpu.memory_space<semaphore_mem>>)
      %mul3A_272 = arith.constant 8 : i32
      %mul3A_273 = arith.muli %add3A_206, %mul3A_272 : i32
      %add3A_274 = arith.constant 5 : i32
      %add3A_275 = arith.addi %mul3A_273, %add3A_274 : i32
      %dma_start3A_276 = arith.constant 640 : i32
      %dma_start3A_277 = arith.constant 0 : i32
      %dma_start3A_278 = tpu.memref_slice %arg11[%dma_start3A_276, %dma_start3A_277] : memref<1024x32xf32, #tpu.memory_space<vmem>> -> memref<128x32xf32, #tpu.memory_space<vmem>>
      %dma_start3A_279 = arith.constant 0 : i32
      %dma_start3A_280 = tpu.memref_slice %arg8[%add3A_275, %dma_start3A_279] : memref<112x128xi32, #tpu.memory_space<vmem>> -> memref<1x128xi32, #tpu.memory_space<vmem>>
      %dma_start3A_281 = tpu.memref_squeeze %dma_start3A_280 : memref<1x128xi32, #tpu.memory_space<vmem>> -> memref<128xi32, #tpu.memory_space<vmem>>
      %dma_start3A_282 = arith.constant 0 : i32
      %dma_start3A_283 = arith.constant 0 : i32
      %dma_start3A_284 = tpu.memref_slice %arg2[%dma_start3A_282, %dma_start3A_283] : memref<2981888x32xf32, #tpu.memory_space<hbm>> -> memref<2981888x32xf32, #tpu.memory_space<hbm>>
      tpu.enqueue_indirect_dma source(%dma_start3A_284 : memref<2981888x32xf32, #tpu.memory_space<hbm>>) target(%dma_start3A_278 : memref<128x32xf32, #tpu.memory_space<vmem>>) offsets(%dma_start3A_281 : memref<128xi32, #tpu.memory_space<vmem>>) semaphore(%arg13 : memref<!tpu.dma_semaphore, #tpu.memory_space<semaphore_mem>>)
      %mul3A_285 = arith.constant 8 : i32
      %mul3A_286 = arith.muli %add3A_206, %mul3A_285 : i32
      %add3A_287 = arith.constant 6 : i32
      %add3A_288 = arith.addi %mul3A_286, %add3A_287 : i32
      %dma_start3A_289 = arith.constant 768 : i32
      %dma_start3A_290 = arith.constant 0 : i32
      %dma_start3A_291 = tpu.memref_slice %arg11[%dma_start3A_289, %dma_start3A_290] : memref<1024x32xf32, #tpu.memory_space<vmem>> -> memref<128x32xf32, #tpu.memory_space<vmem>>
      %dma_start3A_292 = arith.constant 0 : i32
      %dma_start3A_293 = tpu.memref_slice %arg8[%add3A_288, %dma_start3A_292] : memref<112x128xi32, #tpu.memory_space<vmem>> -> memref<1x128xi32, #tpu.memory_space<vmem>>
      %dma_start3A_294 = tpu.memref_squeeze %dma_start3A_293 : memref<1x128xi32, #tpu.memory_space<vmem>> -> memref<128xi32, #tpu.memory_space<vmem>>
      %dma_start3A_295 = arith.constant 0 : i32
      %dma_start3A_296 = arith.constant 0 : i32
      %dma_start3A_297 = tpu.memref_slice %arg2[%dma_start3A_295, %dma_start3A_296] : memref<2981888x32xf32, #tpu.memory_space<hbm>> -> memref<2981888x32xf32, #tpu.memory_space<hbm>>
      tpu.enqueue_indirect_dma source(%dma_start3A_297 : memref<2981888x32xf32, #tpu.memory_space<hbm>>) target(%dma_start3A_291 : memref<128x32xf32, #tpu.memory_space<vmem>>) offsets(%dma_start3A_294 : memref<128xi32, #tpu.memory_space<vmem>>) semaphore(%arg13 : memref<!tpu.dma_semaphore, #tpu.memory_space<semaphore_mem>>)
      %mul3A_298 = arith.constant 8 : i32
      %mul3A_299 = arith.muli %add3A_206, %mul3A_298 : i32
      %add3A_300 = arith.constant 7 : i32
      %add3A_301 = arith.addi %mul3A_299, %add3A_300 : i32
      %dma_start3A_302 = arith.constant 896 : i32
      %dma_start3A_303 = arith.constant 0 : i32
      %dma_start3A_304 = tpu.memref_slice %arg11[%dma_start3A_302, %dma_start3A_303] : memref<1024x32xf32, #tpu.memory_space<vmem>> -> memref<128x32xf32, #tpu.memory_space<vmem>>
      %dma_start3A_305 = arith.constant 0 : i32
      %dma_start3A_306 = tpu.memref_slice %arg8[%add3A_301, %dma_start3A_305] : memref<112x128xi32, #tpu.memory_space<vmem>> -> memref<1x128xi32, #tpu.memory_space<vmem>>
      %dma_start3A_307 = tpu.memref_squeeze %dma_start3A_306 : memref<1x128xi32, #tpu.memory_space<vmem>> -> memref<128xi32, #tpu.memory_space<vmem>>
      %dma_start3A_308 = arith.constant 0 : i32
      %dma_start3A_309 = arith.constant 0 : i32
      %dma_start3A_310 = tpu.memref_slice %arg2[%dma_start3A_308, %dma_start3A_309] : memref<2981888x32xf32, #tpu.memory_space<hbm>> -> memref<2981888x32xf32, #tpu.memory_space<hbm>>
      tpu.enqueue_indirect_dma source(%dma_start3A_310 : memref<2981888x32xf32, #tpu.memory_space<hbm>>) target(%dma_start3A_304 : memref<128x32xf32, #tpu.memory_space<vmem>>) offsets(%dma_start3A_307 : memref<128xi32, #tpu.memory_space<vmem>>) semaphore(%arg13 : memref<!tpu.dma_semaphore, #tpu.memory_space<semaphore_mem>>)
      %mul3A_311 = arith.constant 1024 : i32
      %mul3A_312 = arith.muli %mul3A_101, %mul3A_311 : i32
      %add3A_313 = arith.addi %mul3A_13, %mul3A_312 : i32
      "tpu.region"() ({
        %run_scoped3A = tpu.sem_alloc : memref<!tpu.dma_semaphore, #tpu.memory_space<semaphore_mem>>
        %dma_start3A_427 = arith.constant 0 : i32
        %dma_start3A_428 = tpu.memref_slice %arg6[%add3A_313, %dma_start3A_427] : memref<458752x32xf32, #tpu.memory_space<hbm>> -> memref<1024x32xf32, #tpu.memory_space<hbm>>
        %dma_start3A_429 = arith.constant 0 : i32
        %dma_start3A_430 = tpu.memref_slice %arg6[%add3A_313, %dma_start3A_429] : memref<458752x32xf32, #tpu.memory_space<hbm>> -> memref<1024x32xf32, #tpu.memory_space<hbm>>
        tpu.enqueue_dma source(%arg10 : memref<1024x32xf32, #tpu.memory_space<vmem>>) target(%dma_start3A_430 : memref<1024x32xf32, #tpu.memory_space<hbm>>) target_semaphore(%run_scoped3A : memref<!tpu.dma_semaphore, #tpu.memory_space<semaphore_mem>>)
        %dma_wait3A_431 = arith.constant 0 : i32
        %dma_wait3A_432 = tpu.memref_slice %arg6[%add3A_313, %dma_wait3A_431] : memref<458752x32xf32, #tpu.memory_space<hbm>> -> memref<1024x32xf32, #tpu.memory_space<hbm>>
        %dma_wait3A_433 = arith.constant 0 : i32
        %dma_wait3A_434 = tpu.memref_slice %arg6[%add3A_313, %dma_wait3A_433] : memref<458752x32xf32, #tpu.memory_space<hbm>> -> memref<1024x32xf32, #tpu.memory_space<hbm>>
        tpu.wait_dma2 semaphore(%run_scoped3A : memref<!tpu.dma_semaphore, #tpu.memory_space<semaphore_mem>>) src(%arg10 : memref<1024x32xf32, #tpu.memory_space<vmem>>) dst(%dma_wait3A_434 : memref<1024x32xf32, #tpu.memory_space<hbm>>)
        tpu.yield
      }) : () -> ()
      %add3A_314 = arith.constant 1 : i32
      %add3A_315 = arith.addi %mul3A_101, %add3A_314 : i32
      %mul3A_316 = arith.constant 8 : i32
      %mul3A_317 = arith.muli %add3A_315, %mul3A_316 : i32
      %add3A_318 = arith.constant 0 : i32
      %add3A_319 = arith.addi %mul3A_317, %add3A_318 : i32
      %dma_wait3A_320 = arith.constant 0 : i32
      %dma_wait3A_321 = arith.constant 0 : i32
      %dma_wait3A_322 = tpu.memref_slice %arg11[%dma_wait3A_320, %dma_wait3A_321] : memref<1024x32xf32, #tpu.memory_space<vmem>> -> memref<128x32xf32, #tpu.memory_space<vmem>>
      %dma_wait3A_323 = arith.constant 0 : i32
      %dma_wait3A_324 = tpu.memref_slice %arg8[%add3A_319, %dma_wait3A_323] : memref<112x128xi32, #tpu.memory_space<vmem>> -> memref<1x128xi32, #tpu.memory_space<vmem>>
      %dma_wait3A_325 = tpu.memref_squeeze %dma_wait3A_324 : memref<1x128xi32, #tpu.memory_space<vmem>> -> memref<128xi32, #tpu.memory_space<vmem>>
      %dma_wait3A_326 = arith.constant 0 : i32
      %dma_wait3A_327 = arith.constant 0 : i32
      %dma_wait3A_328 = tpu.memref_slice %arg2[%dma_wait3A_326, %dma_wait3A_327] : memref<2981888x32xf32, #tpu.memory_space<hbm>> -> memref<2981888x32xf32, #tpu.memory_space<hbm>>
      tpu.wait_indirect_dma semaphore(%arg13 : memref<!tpu.dma_semaphore, #tpu.memory_space<semaphore_mem>>) src(%dma_wait3A_328 : memref<2981888x32xf32, #tpu.memory_space<hbm>>) dst(%dma_wait3A_322 : memref<128x32xf32, #tpu.memory_space<vmem>>)
      %mul3A_329 = arith.constant 8 : i32
      %mul3A_330 = arith.muli %add3A_315, %mul3A_329 : i32
      %add3A_331 = arith.constant 1 : i32
      %add3A_332 = arith.addi %mul3A_330, %add3A_331 : i32
      %dma_wait3A_333 = arith.constant 128 : i32
      %dma_wait3A_334 = arith.constant 0 : i32
      %dma_wait3A_335 = tpu.memref_slice %arg11[%dma_wait3A_333, %dma_wait3A_334] : memref<1024x32xf32, #tpu.memory_space<vmem>> -> memref<128x32xf32, #tpu.memory_space<vmem>>
      %dma_wait3A_336 = arith.constant 0 : i32
      %dma_wait3A_337 = tpu.memref_slice %arg8[%add3A_332, %dma_wait3A_336] : memref<112x128xi32, #tpu.memory_space<vmem>> -> memref<1x128xi32, #tpu.memory_space<vmem>>
      %dma_wait3A_338 = tpu.memref_squeeze %dma_wait3A_337 : memref<1x128xi32, #tpu.memory_space<vmem>> -> memref<128xi32, #tpu.memory_space<vmem>>
      %dma_wait3A_339 = arith.constant 0 : i32
      %dma_wait3A_340 = arith.constant 0 : i32
      %dma_wait3A_341 = tpu.memref_slice %arg2[%dma_wait3A_339, %dma_wait3A_340] : memref<2981888x32xf32, #tpu.memory_space<hbm>> -> memref<2981888x32xf32, #tpu.memory_space<hbm>>
      tpu.wait_indirect_dma semaphore(%arg13 : memref<!tpu.dma_semaphore, #tpu.memory_space<semaphore_mem>>) src(%dma_wait3A_341 : memref<2981888x32xf32, #tpu.memory_space<hbm>>) dst(%dma_wait3A_335 : memref<128x32xf32, #tpu.memory_space<vmem>>)
      %mul3A_342 = arith.constant 8 : i32
      %mul3A_343 = arith.muli %add3A_315, %mul3A_342 : i32
      %add3A_344 = arith.constant 2 : i32
      %add3A_345 = arith.addi %mul3A_343, %add3A_344 : i32
      %dma_wait3A_346 = arith.constant 256 : i32
      %dma_wait3A_347 = arith.constant 0 : i32
      %dma_wait3A_348 = tpu.memref_slice %arg11[%dma_wait3A_346, %dma_wait3A_347] : memref<1024x32xf32, #tpu.memory_space<vmem>> -> memref<128x32xf32, #tpu.memory_space<vmem>>
      %dma_wait3A_349 = arith.constant 0 : i32
      %dma_wait3A_350 = tpu.memref_slice %arg8[%add3A_345, %dma_wait3A_349] : memref<112x128xi32, #tpu.memory_space<vmem>> -> memref<1x128xi32, #tpu.memory_space<vmem>>
      %dma_wait3A_351 = tpu.memref_squeeze %dma_wait3A_350 : memref<1x128xi32, #tpu.memory_space<vmem>> -> memref<128xi32, #tpu.memory_space<vmem>>
      %dma_wait3A_352 = arith.constant 0 : i32
      %dma_wait3A_353 = arith.constant 0 : i32
      %dma_wait3A_354 = tpu.memref_slice %arg2[%dma_wait3A_352, %dma_wait3A_353] : memref<2981888x32xf32, #tpu.memory_space<hbm>> -> memref<2981888x32xf32, #tpu.memory_space<hbm>>
      tpu.wait_indirect_dma semaphore(%arg13 : memref<!tpu.dma_semaphore, #tpu.memory_space<semaphore_mem>>) src(%dma_wait3A_354 : memref<2981888x32xf32, #tpu.memory_space<hbm>>) dst(%dma_wait3A_348 : memref<128x32xf32, #tpu.memory_space<vmem>>)
      %mul3A_355 = arith.constant 8 : i32
      %mul3A_356 = arith.muli %add3A_315, %mul3A_355 : i32
      %add3A_357 = arith.constant 3 : i32
      %add3A_358 = arith.addi %mul3A_356, %add3A_357 : i32
      %dma_wait3A_359 = arith.constant 384 : i32
      %dma_wait3A_360 = arith.constant 0 : i32
      %dma_wait3A_361 = tpu.memref_slice %arg11[%dma_wait3A_359, %dma_wait3A_360] : memref<1024x32xf32, #tpu.memory_space<vmem>> -> memref<128x32xf32, #tpu.memory_space<vmem>>
      %dma_wait3A_362 = arith.constant 0 : i32
      %dma_wait3A_363 = tpu.memref_slice %arg8[%add3A_358, %dma_wait3A_362] : memref<112x128xi32, #tpu.memory_space<vmem>> -> memref<1x128xi32, #tpu.memory_space<vmem>>
      %dma_wait3A_364 = tpu.memref_squeeze %dma_wait3A_363 : memref<1x128xi32, #tpu.memory_space<vmem>> -> memref<128xi32, #tpu.memory_space<vmem>>
      %dma_wait3A_365 = arith.constant 0 : i32
      %dma_wait3A_366 = arith.constant 0 : i32
      %dma_wait3A_367 = tpu.memref_slice %arg2[%dma_wait3A_365, %dma_wait3A_366] : memref<2981888x32xf32, #tpu.memory_space<hbm>> -> memref<2981888x32xf32, #tpu.memory_space<hbm>>
      tpu.wait_indirect_dma semaphore(%arg13 : memref<!tpu.dma_semaphore, #tpu.memory_space<semaphore_mem>>) src(%dma_wait3A_367 : memref<2981888x32xf32, #tpu.memory_space<hbm>>) dst(%dma_wait3A_361 : memref<128x32xf32, #tpu.memory_space<vmem>>)
      %mul3A_368 = arith.constant 8 : i32
      %mul3A_369 = arith.muli %add3A_315, %mul3A_368 : i32
      %add3A_370 = arith.constant 4 : i32
      %add3A_371 = arith.addi %mul3A_369, %add3A_370 : i32
      %dma_wait3A_372 = arith.constant 512 : i32
      %dma_wait3A_373 = arith.constant 0 : i32
      %dma_wait3A_374 = tpu.memref_slice %arg11[%dma_wait3A_372, %dma_wait3A_373] : memref<1024x32xf32, #tpu.memory_space<vmem>> -> memref<128x32xf32, #tpu.memory_space<vmem>>
      %dma_wait3A_375 = arith.constant 0 : i32
      %dma_wait3A_376 = tpu.memref_slice %arg8[%add3A_371, %dma_wait3A_375] : memref<112x128xi32, #tpu.memory_space<vmem>> -> memref<1x128xi32, #tpu.memory_space<vmem>>
      %dma_wait3A_377 = tpu.memref_squeeze %dma_wait3A_376 : memref<1x128xi32, #tpu.memory_space<vmem>> -> memref<128xi32, #tpu.memory_space<vmem>>
      %dma_wait3A_378 = arith.constant 0 : i32
      %dma_wait3A_379 = arith.constant 0 : i32
      %dma_wait3A_380 = tpu.memref_slice %arg2[%dma_wait3A_378, %dma_wait3A_379] : memref<2981888x32xf32, #tpu.memory_space<hbm>> -> memref<2981888x32xf32, #tpu.memory_space<hbm>>
      tpu.wait_indirect_dma semaphore(%arg13 : memref<!tpu.dma_semaphore, #tpu.memory_space<semaphore_mem>>) src(%dma_wait3A_380 : memref<2981888x32xf32, #tpu.memory_space<hbm>>) dst(%dma_wait3A_374 : memref<128x32xf32, #tpu.memory_space<vmem>>)
      %mul3A_381 = arith.constant 8 : i32
      %mul3A_382 = arith.muli %add3A_315, %mul3A_381 : i32
      %add3A_383 = arith.constant 5 : i32
      %add3A_384 = arith.addi %mul3A_382, %add3A_383 : i32
      %dma_wait3A_385 = arith.constant 640 : i32
      %dma_wait3A_386 = arith.constant 0 : i32
      %dma_wait3A_387 = tpu.memref_slice %arg11[%dma_wait3A_385, %dma_wait3A_386] : memref<1024x32xf32, #tpu.memory_space<vmem>> -> memref<128x32xf32, #tpu.memory_space<vmem>>
      %dma_wait3A_388 = arith.constant 0 : i32
      %dma_wait3A_389 = tpu.memref_slice %arg8[%add3A_384, %dma_wait3A_388] : memref<112x128xi32, #tpu.memory_space<vmem>> -> memref<1x128xi32, #tpu.memory_space<vmem>>
      %dma_wait3A_390 = tpu.memref_squeeze %dma_wait3A_389 : memref<1x128xi32, #tpu.memory_space<vmem>> -> memref<128xi32, #tpu.memory_space<vmem>>
      %dma_wait3A_391 = arith.constant 0 : i32
      %dma_wait3A_392 = arith.constant 0 : i32
      %dma_wait3A_393 = tpu.memref_slice %arg2[%dma_wait3A_391, %dma_wait3A_392] : memref<2981888x32xf32, #tpu.memory_space<hbm>> -> memref<2981888x32xf32, #tpu.memory_space<hbm>>
      tpu.wait_indirect_dma semaphore(%arg13 : memref<!tpu.dma_semaphore, #tpu.memory_space<semaphore_mem>>) src(%dma_wait3A_393 : memref<2981888x32xf32, #tpu.memory_space<hbm>>) dst(%dma_wait3A_387 : memref<128x32xf32, #tpu.memory_space<vmem>>)
      %mul3A_394 = arith.constant 8 : i32
      %mul3A_395 = arith.muli %add3A_315, %mul3A_394 : i32
      %add3A_396 = arith.constant 6 : i32
      %add3A_397 = arith.addi %mul3A_395, %add3A_396 : i32
      %dma_wait3A_398 = arith.constant 768 : i32
      %dma_wait3A_399 = arith.constant 0 : i32
      %dma_wait3A_400 = tpu.memref_slice %arg11[%dma_wait3A_398, %dma_wait3A_399] : memref<1024x32xf32, #tpu.memory_space<vmem>> -> memref<128x32xf32, #tpu.memory_space<vmem>>
      %dma_wait3A_401 = arith.constant 0 : i32
      %dma_wait3A_402 = tpu.memref_slice %arg8[%add3A_397, %dma_wait3A_401] : memref<112x128xi32, #tpu.memory_space<vmem>> -> memref<1x128xi32, #tpu.memory_space<vmem>>
      %dma_wait3A_403 = tpu.memref_squeeze %dma_wait3A_402 : memref<1x128xi32, #tpu.memory_space<vmem>> -> memref<128xi32, #tpu.memory_space<vmem>>
      %dma_wait3A_404 = arith.constant 0 : i32
      %dma_wait3A_405 = arith.constant 0 : i32
      %dma_wait3A_406 = tpu.memref_slice %arg2[%dma_wait3A_404, %dma_wait3A_405] : memref<2981888x32xf32, #tpu.memory_space<hbm>> -> memref<2981888x32xf32, #tpu.memory_space<hbm>>
      tpu.wait_indirect_dma semaphore(%arg13 : memref<!tpu.dma_semaphore, #tpu.memory_space<semaphore_mem>>) src(%dma_wait3A_406 : memref<2981888x32xf32, #tpu.memory_space<hbm>>) dst(%dma_wait3A_400 : memref<128x32xf32, #tpu.memory_space<vmem>>)
      %mul3A_407 = arith.constant 8 : i32
      %mul3A_408 = arith.muli %add3A_315, %mul3A_407 : i32
      %add3A_409 = arith.constant 7 : i32
      %add3A_410 = arith.addi %mul3A_408, %add3A_409 : i32
      %dma_wait3A_411 = arith.constant 896 : i32
      %dma_wait3A_412 = arith.constant 0 : i32
      %dma_wait3A_413 = tpu.memref_slice %arg11[%dma_wait3A_411, %dma_wait3A_412] : memref<1024x32xf32, #tpu.memory_space<vmem>> -> memref<128x32xf32, #tpu.memory_space<vmem>>
      %dma_wait3A_414 = arith.constant 0 : i32
      %dma_wait3A_415 = tpu.memref_slice %arg8[%add3A_410, %dma_wait3A_414] : memref<112x128xi32, #tpu.memory_space<vmem>> -> memref<1x128xi32, #tpu.memory_space<vmem>>
      %dma_wait3A_416 = tpu.memref_squeeze %dma_wait3A_415 : memref<1x128xi32, #tpu.memory_space<vmem>> -> memref<128xi32, #tpu.memory_space<vmem>>
      %dma_wait3A_417 = arith.constant 0 : i32
      %dma_wait3A_418 = arith.constant 0 : i32
      %dma_wait3A_419 = tpu.memref_slice %arg2[%dma_wait3A_417, %dma_wait3A_418] : memref<2981888x32xf32, #tpu.memory_space<hbm>> -> memref<2981888x32xf32, #tpu.memory_space<hbm>>
      tpu.wait_indirect_dma semaphore(%arg13 : memref<!tpu.dma_semaphore, #tpu.memory_space<semaphore_mem>>) src(%dma_wait3A_419 : memref<2981888x32xf32, #tpu.memory_space<hbm>>) dst(%dma_wait3A_413 : memref<128x32xf32, #tpu.memory_space<vmem>>)
      %lt3A = arith.constant 6 : i32
      %lt3A_420 = arith.cmpi slt, %scan3A_99, %lt3A : i32
      %convert_element_type3A = arith.extui %lt3A_420 : i1 to i32
      %cond3A = arith.constant 0 : i32
      %cond3A_421 = arith.cmpi ne, %convert_element_type3A, %cond3A : i32
      scf.if %cond3A_421 {
        %add3A_427 = arith.constant 2 : i32
        %add3A_428 = arith.addi %mul3A_101, %add3A_427 : i32
        %mul3A_429 = arith.constant 8 : i32
        %mul3A_430 = arith.muli %add3A_428, %mul3A_429 : i32
        %add3A_431 = arith.constant 0 : i32
        %add3A_432 = arith.addi %mul3A_430, %add3A_431 : i32
        %dma_start3A_433 = arith.constant 0 : i32
        %dma_start3A_434 = arith.constant 0 : i32
        %dma_start3A_435 = tpu.memref_slice %arg10[%dma_start3A_433, %dma_start3A_434] : memref<1024x32xf32, #tpu.memory_space<vmem>> -> memref<128x32xf32, #tpu.memory_space<vmem>>
        %dma_start3A_436 = arith.constant 0 : i32
        %dma_start3A_437 = tpu.memref_slice %arg8[%add3A_432, %dma_start3A_436] : memref<112x128xi32, #tpu.memory_space<vmem>> -> memref<1x128xi32, #tpu.memory_space<vmem>>
        %dma_start3A_438 = tpu.memref_squeeze %dma_start3A_437 : memref<1x128xi32, #tpu.memory_space<vmem>> -> memref<128xi32, #tpu.memory_space<vmem>>
        %dma_start3A_439 = arith.constant 0 : i32
        %dma_start3A_440 = arith.constant 0 : i32
        %dma_start3A_441 = tpu.memref_slice %arg2[%dma_start3A_439, %dma_start3A_440] : memref<2981888x32xf32, #tpu.memory_space<hbm>> -> memref<2981888x32xf32, #tpu.memory_space<hbm>>
        tpu.enqueue_indirect_dma source(%dma_start3A_441 : memref<2981888x32xf32, #tpu.memory_space<hbm>>) target(%dma_start3A_435 : memref<128x32xf32, #tpu.memory_space<vmem>>) offsets(%dma_start3A_438 : memref<128xi32, #tpu.memory_space<vmem>>) semaphore(%arg12 : memref<!tpu.dma_semaphore, #tpu.memory_space<semaphore_mem>>)
        %mul3A_442 = arith.constant 8 : i32
        %mul3A_443 = arith.muli %add3A_428, %mul3A_442 : i32
        %add3A_444 = arith.constant 1 : i32
        %add3A_445 = arith.addi %mul3A_443, %add3A_444 : i32
        %dma_start3A_446 = arith.constant 128 : i32
        %dma_start3A_447 = arith.constant 0 : i32
        %dma_start3A_448 = tpu.memref_slice %arg10[%dma_start3A_446, %dma_start3A_447] : memref<1024x32xf32, #tpu.memory_space<vmem>> -> memref<128x32xf32, #tpu.memory_space<vmem>>
        %dma_start3A_449 = arith.constant 0 : i32
        %dma_start3A_450 = tpu.memref_slice %arg8[%add3A_445, %dma_start3A_449] : memref<112x128xi32, #tpu.memory_space<vmem>> -> memref<1x128xi32, #tpu.memory_space<vmem>>
        %dma_start3A_451 = tpu.memref_squeeze %dma_start3A_450 : memref<1x128xi32, #tpu.memory_space<vmem>> -> memref<128xi32, #tpu.memory_space<vmem>>
        %dma_start3A_452 = arith.constant 0 : i32
        %dma_start3A_453 = arith.constant 0 : i32
        %dma_start3A_454 = tpu.memref_slice %arg2[%dma_start3A_452, %dma_start3A_453] : memref<2981888x32xf32, #tpu.memory_space<hbm>> -> memref<2981888x32xf32, #tpu.memory_space<hbm>>
        tpu.enqueue_indirect_dma source(%dma_start3A_454 : memref<2981888x32xf32, #tpu.memory_space<hbm>>) target(%dma_start3A_448 : memref<128x32xf32, #tpu.memory_space<vmem>>) offsets(%dma_start3A_451 : memref<128xi32, #tpu.memory_space<vmem>>) semaphore(%arg12 : memref<!tpu.dma_semaphore, #tpu.memory_space<semaphore_mem>>)
        %mul3A_455 = arith.constant 8 : i32
        %mul3A_456 = arith.muli %add3A_428, %mul3A_455 : i32
        %add3A_457 = arith.constant 2 : i32
        %add3A_458 = arith.addi %mul3A_456, %add3A_457 : i32
        %dma_start3A_459 = arith.constant 256 : i32
        %dma_start3A_460 = arith.constant 0 : i32
        %dma_start3A_461 = tpu.memref_slice %arg10[%dma_start3A_459, %dma_start3A_460] : memref<1024x32xf32, #tpu.memory_space<vmem>> -> memref<128x32xf32, #tpu.memory_space<vmem>>
        %dma_start3A_462 = arith.constant 0 : i32
        %dma_start3A_463 = tpu.memref_slice %arg8[%add3A_458, %dma_start3A_462] : memref<112x128xi32, #tpu.memory_space<vmem>> -> memref<1x128xi32, #tpu.memory_space<vmem>>
        %dma_start3A_464 = tpu.memref_squeeze %dma_start3A_463 : memref<1x128xi32, #tpu.memory_space<vmem>> -> memref<128xi32, #tpu.memory_space<vmem>>
        %dma_start3A_465 = arith.constant 0 : i32
        %dma_start3A_466 = arith.constant 0 : i32
        %dma_start3A_467 = tpu.memref_slice %arg2[%dma_start3A_465, %dma_start3A_466] : memref<2981888x32xf32, #tpu.memory_space<hbm>> -> memref<2981888x32xf32, #tpu.memory_space<hbm>>
        tpu.enqueue_indirect_dma source(%dma_start3A_467 : memref<2981888x32xf32, #tpu.memory_space<hbm>>) target(%dma_start3A_461 : memref<128x32xf32, #tpu.memory_space<vmem>>) offsets(%dma_start3A_464 : memref<128xi32, #tpu.memory_space<vmem>>) semaphore(%arg12 : memref<!tpu.dma_semaphore, #tpu.memory_space<semaphore_mem>>)
        %mul3A_468 = arith.constant 8 : i32
        %mul3A_469 = arith.muli %add3A_428, %mul3A_468 : i32
        %add3A_470 = arith.constant 3 : i32
        %add3A_471 = arith.addi %mul3A_469, %add3A_470 : i32
        %dma_start3A_472 = arith.constant 384 : i32
        %dma_start3A_473 = arith.constant 0 : i32
        %dma_start3A_474 = tpu.memref_slice %arg10[%dma_start3A_472, %dma_start3A_473] : memref<1024x32xf32, #tpu.memory_space<vmem>> -> memref<128x32xf32, #tpu.memory_space<vmem>>
        %dma_start3A_475 = arith.constant 0 : i32
        %dma_start3A_476 = tpu.memref_slice %arg8[%add3A_471, %dma_start3A_475] : memref<112x128xi32, #tpu.memory_space<vmem>> -> memref<1x128xi32, #tpu.memory_space<vmem>>
        %dma_start3A_477 = tpu.memref_squeeze %dma_start3A_476 : memref<1x128xi32, #tpu.memory_space<vmem>> -> memref<128xi32, #tpu.memory_space<vmem>>
        %dma_start3A_478 = arith.constant 0 : i32
        %dma_start3A_479 = arith.constant 0 : i32
        %dma_start3A_480 = tpu.memref_slice %arg2[%dma_start3A_478, %dma_start3A_479] : memref<2981888x32xf32, #tpu.memory_space<hbm>> -> memref<2981888x32xf32, #tpu.memory_space<hbm>>
        tpu.enqueue_indirect_dma source(%dma_start3A_480 : memref<2981888x32xf32, #tpu.memory_space<hbm>>) target(%dma_start3A_474 : memref<128x32xf32, #tpu.memory_space<vmem>>) offsets(%dma_start3A_477 : memref<128xi32, #tpu.memory_space<vmem>>) semaphore(%arg12 : memref<!tpu.dma_semaphore, #tpu.memory_space<semaphore_mem>>)
        %mul3A_481 = arith.constant 8 : i32
        %mul3A_482 = arith.muli %add3A_428, %mul3A_481 : i32
        %add3A_483 = arith.constant 4 : i32
        %add3A_484 = arith.addi %mul3A_482, %add3A_483 : i32
        %dma_start3A_485 = arith.constant 512 : i32
        %dma_start3A_486 = arith.constant 0 : i32
        %dma_start3A_487 = tpu.memref_slice %arg10[%dma_start3A_485, %dma_start3A_486] : memref<1024x32xf32, #tpu.memory_space<vmem>> -> memref<128x32xf32, #tpu.memory_space<vmem>>
        %dma_start3A_488 = arith.constant 0 : i32
        %dma_start3A_489 = tpu.memref_slice %arg8[%add3A_484, %dma_start3A_488] : memref<112x128xi32, #tpu.memory_space<vmem>> -> memref<1x128xi32, #tpu.memory_space<vmem>>
        %dma_start3A_490 = tpu.memref_squeeze %dma_start3A_489 : memref<1x128xi32, #tpu.memory_space<vmem>> -> memref<128xi32, #tpu.memory_space<vmem>>
        %dma_start3A_491 = arith.constant 0 : i32
        %dma_start3A_492 = arith.constant 0 : i32
        %dma_start3A_493 = tpu.memref_slice %arg2[%dma_start3A_491, %dma_start3A_492] : memref<2981888x32xf32, #tpu.memory_space<hbm>> -> memref<2981888x32xf32, #tpu.memory_space<hbm>>
        tpu.enqueue_indirect_dma source(%dma_start3A_493 : memref<2981888x32xf32, #tpu.memory_space<hbm>>) target(%dma_start3A_487 : memref<128x32xf32, #tpu.memory_space<vmem>>) offsets(%dma_start3A_490 : memref<128xi32, #tpu.memory_space<vmem>>) semaphore(%arg12 : memref<!tpu.dma_semaphore, #tpu.memory_space<semaphore_mem>>)
        %mul3A_494 = arith.constant 8 : i32
        %mul3A_495 = arith.muli %add3A_428, %mul3A_494 : i32
        %add3A_496 = arith.constant 5 : i32
        %add3A_497 = arith.addi %mul3A_495, %add3A_496 : i32
        %dma_start3A_498 = arith.constant 640 : i32
        %dma_start3A_499 = arith.constant 0 : i32
        %dma_start3A_500 = tpu.memref_slice %arg10[%dma_start3A_498, %dma_start3A_499] : memref<1024x32xf32, #tpu.memory_space<vmem>> -> memref<128x32xf32, #tpu.memory_space<vmem>>
        %dma_start3A_501 = arith.constant 0 : i32
        %dma_start3A_502 = tpu.memref_slice %arg8[%add3A_497, %dma_start3A_501] : memref<112x128xi32, #tpu.memory_space<vmem>> -> memref<1x128xi32, #tpu.memory_space<vmem>>
        %dma_start3A_503 = tpu.memref_squeeze %dma_start3A_502 : memref<1x128xi32, #tpu.memory_space<vmem>> -> memref<128xi32, #tpu.memory_space<vmem>>
        %dma_start3A_504 = arith.constant 0 : i32
        %dma_start3A_505 = arith.constant 0 : i32
        %dma_start3A_506 = tpu.memref_slice %arg2[%dma_start3A_504, %dma_start3A_505] : memref<2981888x32xf32, #tpu.memory_space<hbm>> -> memref<2981888x32xf32, #tpu.memory_space<hbm>>
        tpu.enqueue_indirect_dma source(%dma_start3A_506 : memref<2981888x32xf32, #tpu.memory_space<hbm>>) target(%dma_start3A_500 : memref<128x32xf32, #tpu.memory_space<vmem>>) offsets(%dma_start3A_503 : memref<128xi32, #tpu.memory_space<vmem>>) semaphore(%arg12 : memref<!tpu.dma_semaphore, #tpu.memory_space<semaphore_mem>>)
        %mul3A_507 = arith.constant 8 : i32
        %mul3A_508 = arith.muli %add3A_428, %mul3A_507 : i32
        %add3A_509 = arith.constant 6 : i32
        %add3A_510 = arith.addi %mul3A_508, %add3A_509 : i32
        %dma_start3A_511 = arith.constant 768 : i32
        %dma_start3A_512 = arith.constant 0 : i32
        %dma_start3A_513 = tpu.memref_slice %arg10[%dma_start3A_511, %dma_start3A_512] : memref<1024x32xf32, #tpu.memory_space<vmem>> -> memref<128x32xf32, #tpu.memory_space<vmem>>
        %dma_start3A_514 = arith.constant 0 : i32
        %dma_start3A_515 = tpu.memref_slice %arg8[%add3A_510, %dma_start3A_514] : memref<112x128xi32, #tpu.memory_space<vmem>> -> memref<1x128xi32, #tpu.memory_space<vmem>>
        %dma_start3A_516 = tpu.memref_squeeze %dma_start3A_515 : memref<1x128xi32, #tpu.memory_space<vmem>> -> memref<128xi32, #tpu.memory_space<vmem>>
        %dma_start3A_517 = arith.constant 0 : i32
        %dma_start3A_518 = arith.constant 0 : i32
        %dma_start3A_519 = tpu.memref_slice %arg2[%dma_start3A_517, %dma_start3A_518] : memref<2981888x32xf32, #tpu.memory_space<hbm>> -> memref<2981888x32xf32, #tpu.memory_space<hbm>>
        tpu.enqueue_indirect_dma source(%dma_start3A_519 : memref<2981888x32xf32, #tpu.memory_space<hbm>>) target(%dma_start3A_513 : memref<128x32xf32, #tpu.memory_space<vmem>>) offsets(%dma_start3A_516 : memref<128xi32, #tpu.memory_space<vmem>>) semaphore(%arg12 : memref<!tpu.dma_semaphore, #tpu.memory_space<semaphore_mem>>)
        %mul3A_520 = arith.constant 8 : i32
        %mul3A_521 = arith.muli %add3A_428, %mul3A_520 : i32
        %add3A_522 = arith.constant 7 : i32
        %add3A_523 = arith.addi %mul3A_521, %add3A_522 : i32
        %dma_start3A_524 = arith.constant 896 : i32
        %dma_start3A_525 = arith.constant 0 : i32
        %dma_start3A_526 = tpu.memref_slice %arg10[%dma_start3A_524, %dma_start3A_525] : memref<1024x32xf32, #tpu.memory_space<vmem>> -> memref<128x32xf32, #tpu.memory_space<vmem>>
        %dma_start3A_527 = arith.constant 0 : i32
        %dma_start3A_528 = tpu.memref_slice %arg8[%add3A_523, %dma_start3A_527] : memref<112x128xi32, #tpu.memory_space<vmem>> -> memref<1x128xi32, #tpu.memory_space<vmem>>
        %dma_start3A_529 = tpu.memref_squeeze %dma_start3A_528 : memref<1x128xi32, #tpu.memory_space<vmem>> -> memref<128xi32, #tpu.memory_space<vmem>>
        %dma_start3A_530 = arith.constant 0 : i32
        %dma_start3A_531 = arith.constant 0 : i32
        %dma_start3A_532 = tpu.memref_slice %arg2[%dma_start3A_530, %dma_start3A_531] : memref<2981888x32xf32, #tpu.memory_space<hbm>> -> memref<2981888x32xf32, #tpu.memory_space<hbm>>
        tpu.enqueue_indirect_dma source(%dma_start3A_532 : memref<2981888x32xf32, #tpu.memory_space<hbm>>) target(%dma_start3A_526 : memref<128x32xf32, #tpu.memory_space<vmem>>) offsets(%dma_start3A_529 : memref<128xi32, #tpu.memory_space<vmem>>) semaphore(%arg12 : memref<!tpu.dma_semaphore, #tpu.memory_space<semaphore_mem>>)
      } else {
      }
      %add3A_422 = arith.constant 1 : i32
      %add3A_423 = arith.addi %mul3A_101, %add3A_422 : i32
      %mul3A_424 = arith.constant 1024 : i32
      %mul3A_425 = arith.muli %add3A_423, %mul3A_424 : i32
      %add3A_426 = arith.addi %mul3A_13, %mul3A_425 : i32
      "tpu.region"() ({
        %run_scoped3A = tpu.sem_alloc : memref<!tpu.dma_semaphore, #tpu.memory_space<semaphore_mem>>
        %dma_start3A_427 = arith.constant 0 : i32
        %dma_start3A_428 = tpu.memref_slice %arg6[%add3A_426, %dma_start3A_427] : memref<458752x32xf32, #tpu.memory_space<hbm>> -> memref<1024x32xf32, #tpu.memory_space<hbm>>
        %dma_start3A_429 = arith.constant 0 : i32
        %dma_start3A_430 = tpu.memref_slice %arg6[%add3A_426, %dma_start3A_429] : memref<458752x32xf32, #tpu.memory_space<hbm>> -> memref<1024x32xf32, #tpu.memory_space<hbm>>
        tpu.enqueue_dma source(%arg11 : memref<1024x32xf32, #tpu.memory_space<vmem>>) target(%dma_start3A_430 : memref<1024x32xf32, #tpu.memory_space<hbm>>) target_semaphore(%run_scoped3A : memref<!tpu.dma_semaphore, #tpu.memory_space<semaphore_mem>>)
        %dma_wait3A_431 = arith.constant 0 : i32
        %dma_wait3A_432 = tpu.memref_slice %arg6[%add3A_426, %dma_wait3A_431] : memref<458752x32xf32, #tpu.memory_space<hbm>> -> memref<1024x32xf32, #tpu.memory_space<hbm>>
        %dma_wait3A_433 = arith.constant 0 : i32
        %dma_wait3A_434 = tpu.memref_slice %arg6[%add3A_426, %dma_wait3A_433] : memref<458752x32xf32, #tpu.memory_space<hbm>> -> memref<1024x32xf32, #tpu.memory_space<hbm>>
        tpu.wait_dma2 semaphore(%run_scoped3A : memref<!tpu.dma_semaphore, #tpu.memory_space<semaphore_mem>>) src(%arg11 : memref<1024x32xf32, #tpu.memory_space<vmem>>) dst(%dma_wait3A_434 : memref<1024x32xf32, #tpu.memory_space<hbm>>)
        tpu.yield
      }) : () -> ()
    }
    %scan3A_98 = arith.constant 7 : i32
    return
  }
}

module attributes {stable_mosaic.version = 14 : i64} {
  func.func @_detile_body(%arg0: i32, %arg1: i32, %arg2: memref<4x32x8192xf32, #tpu.memory_space<vmem>>, %arg3: memref<8192x128xf32, #tpu.memory_space<vmem>>) attributes {dimension_semantics = [#tpu.dimension_semantics<arbitrary>, #tpu.dimension_semantics<arbitrary>], iteration_bounds = array<i64: 7, 13>, scalar_prefetch = 0 : i64, scratch_operands = 0 : i64, tpu.core_type = #tpu.core_type<tc>, window_params = [{transform_indices = @transform_0, window_bounds = array<i64: 4, 32, 8192>}, {transform_indices = @transform_1, window_bounds = array<i64: 8192, 128>}]} {
    %get3A = arith.constant 0 : index
    %get3A_0 = arith.constant 0 : index
    %get3A_1 = arith.constant 0 : index
    %get3A_2 = vector.load %arg2[%get3A, %get3A_0, %get3A_1] : memref<4x32x8192xf32, #tpu.memory_space<vmem>>, vector<4x32x8192xf32>
    %reshape3A = vector.shape_cast %get3A_2 : vector<4x32x8192xf32> to vector<128x8192xf32>
    %transpose3A = tpu.transpose %reshape3A, [1, 0] : vector<128x8192xf32> -> vector<8192x128xf32>
    %swap3A = arith.constant 0 : index
    %swap3A_3 = arith.constant 0 : index
    %swap3A_4 = vector.load %arg3[%swap3A, %swap3A_3] : memref<8192x128xf32, #tpu.memory_space<vmem>>, vector<8192x128xf32>
    tpu.vector_store %arg3[%swap3A, %swap3A_3], %transpose3A {strides = array<i32>} : memref<8192x128xf32, #tpu.memory_space<vmem>>, vector<8192x128xf32>,
    return
  }
  func.func @transform_0(%arg0: i32, %arg1: i32) -> (i32, i32, i32) {
    %c0_i32 = arith.constant 0 : i32
    %c0_i32_0 = arith.constant 0 : i32
    return %arg0, %c0_i32, %arg1 : i32, i32, i32
  }
  func.func @transform_1(%arg0: i32, %arg1: i32) -> (i32, i32) {
    %mul3A = arith.constant 13 : i32
    %mul3A_0 = arith.muli %arg0, %mul3A : i32
    %add3A = arith.addi %mul3A_0, %arg1 : i32
    %c0_i32 = arith.constant 0 : i32
    %c0_i32_1 = arith.constant 0 : i32
    return %add3A, %c0_i32 : i32, i32
  }
}

module attributes {stable_mosaic.version = 14 : i64} {
  func.func @_mlp_body(%arg0: i32, %arg1: memref<128x7x8x128xf32, #tpu.memory_space<vmem>>, %arg2: memref<1024x128xf32, #tpu.memory_space<vmem>>, %arg3: memref<7x128x64xf32, #tpu.memory_space<vmem>>, %arg4: memref<128x64xf32, #tpu.memory_space<vmem>>, %arg5: memref<64x64xf32, #tpu.memory_space<vmem>>, %arg6: memref<16x64xf32, #tpu.memory_space<vmem>>, %arg7: memref<1024x1xf32, #tpu.memory_space<vmem>>) attributes {dimension_semantics = [#tpu.dimension_semantics<arbitrary>], iteration_bounds = array<i64: 16>, scalar_prefetch = 0 : i64, scratch_operands = 0 : i64, tpu.core_type = #tpu.core_type<tc>, window_params = [{transform_indices = @transform_0, window_bounds = array<i64: 128, 7, 8, 128>}, {transform_indices = @transform_1, window_bounds = array<i64: 1024, 128>}, {pipeline_mode = #tpu.pipeline_mode<synchronous>, transform_indices = @transform_2, window_bounds = array<i64: 7, 128, 64>}, {pipeline_mode = #tpu.pipeline_mode<synchronous>, transform_indices = @transform_3, window_bounds = array<i64: 128, 64>}, {pipeline_mode = #tpu.pipeline_mode<synchronous>, transform_indices = @transform_4, window_bounds = array<i64: 64, 64>}, {pipeline_mode = #tpu.pipeline_mode<synchronous>, transform_indices = @transform_5, window_bounds = array<i64: 16, 64>}, {transform_indices = @transform_6, window_bounds = array<i64: 1024, 1>}]} {
    %get3A = arith.constant 0 : index
    %get3A_0 = arith.constant 0 : index
    %get3A_1 = vector.load %arg6[%get3A, %get3A_0] : memref<16x64xf32, #tpu.memory_space<vmem>>, vector<16x64xf32>
    %slice3A = vector.extract_strided_slice %get3A_1 {offsets = [0, 0], sizes = [1, 64], strides = [1, 1]} : vector<16x64xf32> to vector<1x64xf32>
    %slice3A_2 = vector.extract_strided_slice %get3A_1 {offsets = [1, 0], sizes = [1, 64], strides = [1, 1]} : vector<16x64xf32> to vector<1x64xf32>
    %slice3A_3 = vector.extract_strided_slice %get3A_1 {offsets = [4, 0], sizes = [1, 64], strides = [1, 1]} : vector<16x64xf32> to vector<1x64xf32>
    %add3A = arith.constant 9.99999974E-6 : f32
    %add3A_4 = vector.broadcast %add3A : f32 to vector<1x64xf32>
    %add3A_5 = arith.addf %slice3A_3, %add3A_4 : vector<1x64xf32>
    %rsqrt3A = math.rsqrt %add3A_5 : vector<1x64xf32>
    %mul3A = arith.mulf %slice3A_2, %rsqrt3A : vector<1x64xf32>
    %slice3A_6 = vector.extract_strided_slice %get3A_1 {offsets = [2, 0], sizes = [1, 64], strides = [1, 1]} : vector<16x64xf32> to vector<1x64xf32>
    %slice3A_7 = vector.extract_strided_slice %get3A_1 {offsets = [3, 0], sizes = [1, 64], strides = [1, 1]} : vector<16x64xf32> to vector<1x64xf32>
    %mul3A_8 = arith.mulf %slice3A_7, %mul3A : vector<1x64xf32>
    %sub3A = arith.subf %slice3A_6, %mul3A_8 : vector<1x64xf32>
    %slice3A_9 = vector.extract_strided_slice %get3A_1 {offsets = [5, 0], sizes = [1, 64], strides = [1, 1]} : vector<16x64xf32> to vector<1x64xf32>
    %slice3A_10 = vector.extract_strided_slice %get3A_1 {offsets = [6, 0], sizes = [1, 64], strides = [1, 1]} : vector<16x64xf32> to vector<1x64xf32>
    %slice3A_11 = vector.extract_strided_slice %get3A_1 {offsets = [9, 0], sizes = [1, 64], strides = [1, 1]} : vector<16x64xf32> to vector<1x64xf32>
    %add3A_12 = arith.constant 9.99999974E-6 : f32
    %add3A_13 = vector.broadcast %add3A_12 : f32 to vector<1x64xf32>
    %add3A_14 = arith.addf %slice3A_11, %add3A_13 : vector<1x64xf32>
    %rsqrt3A_15 = math.rsqrt %add3A_14 : vector<1x64xf32>
    %mul3A_16 = arith.mulf %slice3A_10, %rsqrt3A_15 : vector<1x64xf32>
    %slice3A_17 = vector.extract_strided_slice %get3A_1 {offsets = [7, 0], sizes = [1, 64], strides = [1, 1]} : vector<16x64xf32> to vector<1x64xf32>
    %slice3A_18 = vector.extract_strided_slice %get3A_1 {offsets = [8, 0], sizes = [1, 64], strides = [1, 1]} : vector<16x64xf32> to vector<1x64xf32>
    %mul3A_19 = arith.mulf %slice3A_18, %mul3A_16 : vector<1x64xf32>
    %sub3A_20 = arith.subf %slice3A_17, %mul3A_19 : vector<1x64xf32>
    %slice3A_21 = vector.extract_strided_slice %get3A_1 {offsets = [10, 0], sizes = [1, 64], strides = [1, 1]} : vector<16x64xf32> to vector<1x64xf32>
    %slice3A_22 = vector.extract_strided_slice %get3A_1 {offsets = [11, 0], sizes = [1, 1], strides = [1, 1]} : vector<16x64xf32> to vector<1x1xf32>
    %get3A_23 = arith.constant 0 : index
    %get3A_24 = arith.constant 0 : index
    %get3A_25 = arith.constant 0 : index
    %get3A_26 = arith.constant 0 : index
    %get3A_27 = vector.load %arg1[%get3A_23, %get3A_24, %get3A_25, %get3A_26] : memref<128x7x8x128xf32, #tpu.memory_space<vmem>>, vector<128x7x8x128xf32>
    %get3A_28 = arith.constant 0 : index
    %get3A_29 = arith.constant 0 : index
    %get3A_30 = vector.load %arg2[%get3A_28, %get3A_29] : memref<1024x128xf32, #tpu.memory_space<vmem>>, vector<1024x128xf32>
    %get3A_31 = arith.constant 0 : index
    %get3A_32 = arith.constant 0 : index
    %get3A_33 = vector.load %arg4[%get3A_31, %get3A_32] : memref<128x64xf32, #tpu.memory_space<vmem>>, vector<128x64xf32>
    %dot_general3A = arith.constant dense<0.000000e+00> : vector<1024x64xf32>
    %dot_general3A_34 = tpu.matmul %get3A_30, %get3A_33, %dot_general3A {dimension_numbers = #tpu.dot_dimension_numbers<[1], [0], [0], [1], [0, 0, 1, 1], [], []>, transpose_lhs_hint = false} : vector<1024x128xf32>, vector<128x64xf32>, vector<1024x64xf32> -> vector<1024x64xf32>
    %slice3A_35 = vector.extract_strided_slice %get3A_27 {offsets = [0, 0, 0, 0], sizes = [128, 1, 8, 128], strides = [1, 1, 1, 1]} : vector<128x7x8x128xf32> to vector<128x1x8x128xf32>
    %squeeze3A = vector.shape_cast %slice3A_35 : vector<128x1x8x128xf32> to vector<128x8x128xf32>
    %reshape3A = vector.shape_cast %squeeze3A : vector<128x8x128xf32> to vector<1024x128xf32>
    %get3A_36 = arith.constant 0 : index
    %get3A_37 = arith.constant 0 : index
    %get3A_38 = arith.constant 0 : index
    %get3A_39 = vector.load %arg3[%get3A_36, %get3A_37, %get3A_38] : memref<7x128x64xf32, #tpu.memory_space<vmem>>, vector<1x128x64xf32>
    %get3A_40 = vector.shape_cast %get3A_39 : vector<1x128x64xf32> to vector<128x64xf32>
    %dot_general3A_41 = arith.constant dense<0.000000e+00> : vector<1024x64xf32>
    %dot_general3A_42 = tpu.matmul %reshape3A, %get3A_40, %dot_general3A_41 {dimension_numbers = #tpu.dot_dimension_numbers<[1], [0], [0], [1], [0, 0, 1, 1], [], []>, transpose_lhs_hint = false} : vector<1024x128xf32>, vector<128x64xf32>, vector<1024x64xf32> -> vector<1024x64xf32>
    %add3A_43 = arith.addf %dot_general3A_34, %dot_general3A_42 : vector<1024x64xf32>
    %slice3A_44 = vector.extract_strided_slice %get3A_27 {offsets = [0, 1, 0, 0], sizes = [128, 1, 8, 128], strides = [1, 1, 1, 1]} : vector<128x7x8x128xf32> to vector<128x1x8x128xf32>
    %squeeze3A_45 = vector.shape_cast %slice3A_44 : vector<128x1x8x128xf32> to vector<128x8x128xf32>
    %reshape3A_46 = vector.shape_cast %squeeze3A_45 : vector<128x8x128xf32> to vector<1024x128xf32>
    %get3A_47 = arith.constant 1 : index
    %get3A_48 = arith.constant 0 : index
    %get3A_49 = arith.constant 0 : index
    %get3A_50 = vector.load %arg3[%get3A_47, %get3A_48, %get3A_49] : memref<7x128x64xf32, #tpu.memory_space<vmem>>, vector<1x128x64xf32>
    %get3A_51 = vector.shape_cast %get3A_50 : vector<1x128x64xf32> to vector<128x64xf32>
    %dot_general3A_52 = arith.constant dense<0.000000e+00> : vector<1024x64xf32>
    %dot_general3A_53 = tpu.matmul %reshape3A_46, %get3A_51, %dot_general3A_52 {dimension_numbers = #tpu.dot_dimension_numbers<[1], [0], [0], [1], [0, 0, 1, 1], [], []>, transpose_lhs_hint = false} : vector<1024x128xf32>, vector<128x64xf32>, vector<1024x64xf32> -> vector<1024x64xf32>
    %add3A_54 = arith.addf %add3A_43, %dot_general3A_53 : vector<1024x64xf32>
    %slice3A_55 = vector.extract_strided_slice %get3A_27 {offsets = [0, 2, 0, 0], sizes = [128, 1, 8, 128], strides = [1, 1, 1, 1]} : vector<128x7x8x128xf32> to vector<128x1x8x128xf32>
    %squeeze3A_56 = vector.shape_cast %slice3A_55 : vector<128x1x8x128xf32> to vector<128x8x128xf32>
    %reshape3A_57 = vector.shape_cast %squeeze3A_56 : vector<128x8x128xf32> to vector<1024x128xf32>
    %get3A_58 = arith.constant 2 : index
    %get3A_59 = arith.constant 0 : index
    %get3A_60 = arith.constant 0 : index
    %get3A_61 = vector.load %arg3[%get3A_58, %get3A_59, %get3A_60] : memref<7x128x64xf32, #tpu.memory_space<vmem>>, vector<1x128x64xf32>
    %get3A_62 = vector.shape_cast %get3A_61 : vector<1x128x64xf32> to vector<128x64xf32>
    %dot_general3A_63 = arith.constant dense<0.000000e+00> : vector<1024x64xf32>
    %dot_general3A_64 = tpu.matmul %reshape3A_57, %get3A_62, %dot_general3A_63 {dimension_numbers = #tpu.dot_dimension_numbers<[1], [0], [0], [1], [0, 0, 1, 1], [], []>, transpose_lhs_hint = false} : vector<1024x128xf32>, vector<128x64xf32>, vector<1024x64xf32> -> vector<1024x64xf32>
    %add3A_65 = arith.addf %add3A_54, %dot_general3A_64 : vector<1024x64xf32>
    %slice3A_66 = vector.extract_strided_slice %get3A_27 {offsets = [0, 3, 0, 0], sizes = [128, 1, 8, 128], strides = [1, 1, 1, 1]} : vector<128x7x8x128xf32> to vector<128x1x8x128xf32>
    %squeeze3A_67 = vector.shape_cast %slice3A_66 : vector<128x1x8x128xf32> to vector<128x8x128xf32>
    %reshape3A_68 = vector.shape_cast %squeeze3A_67 : vector<128x8x128xf32> to vector<1024x128xf32>
    %get3A_69 = arith.constant 3 : index
    %get3A_70 = arith.constant 0 : index
    %get3A_71 = arith.constant 0 : index
    %get3A_72 = vector.load %arg3[%get3A_69, %get3A_70, %get3A_71] : memref<7x128x64xf32, #tpu.memory_space<vmem>>, vector<1x128x64xf32>
    %get3A_73 = vector.shape_cast %get3A_72 : vector<1x128x64xf32> to vector<128x64xf32>
    %dot_general3A_74 = arith.constant dense<0.000000e+00> : vector<1024x64xf32>
    %dot_general3A_75 = tpu.matmul %reshape3A_68, %get3A_73, %dot_general3A_74 {dimension_numbers = #tpu.dot_dimension_numbers<[1], [0], [0], [1], [0, 0, 1, 1], [], []>, transpose_lhs_hint = false} : vector<1024x128xf32>, vector<128x64xf32>, vector<1024x64xf32> -> vector<1024x64xf32>
    %add3A_76 = arith.addf %add3A_65, %dot_general3A_75 : vector<1024x64xf32>
    %slice3A_77 = vector.extract_strided_slice %get3A_27 {offsets = [0, 4, 0, 0], sizes = [128, 1, 8, 128], strides = [1, 1, 1, 1]} : vector<128x7x8x128xf32> to vector<128x1x8x128xf32>
    %squeeze3A_78 = vector.shape_cast %slice3A_77 : vector<128x1x8x128xf32> to vector<128x8x128xf32>
    %reshape3A_79 = vector.shape_cast %squeeze3A_78 : vector<128x8x128xf32> to vector<1024x128xf32>
    %get3A_80 = arith.constant 4 : index
    %get3A_81 = arith.constant 0 : index
    %get3A_82 = arith.constant 0 : index
    %get3A_83 = vector.load %arg3[%get3A_80, %get3A_81, %get3A_82] : memref<7x128x64xf32, #tpu.memory_space<vmem>>, vector<1x128x64xf32>
    %get3A_84 = vector.shape_cast %get3A_83 : vector<1x128x64xf32> to vector<128x64xf32>
    %dot_general3A_85 = arith.constant dense<0.000000e+00> : vector<1024x64xf32>
    %dot_general3A_86 = tpu.matmul %reshape3A_79, %get3A_84, %dot_general3A_85 {dimension_numbers = #tpu.dot_dimension_numbers<[1], [0], [0], [1], [0, 0, 1, 1], [], []>, transpose_lhs_hint = false} : vector<1024x128xf32>, vector<128x64xf32>, vector<1024x64xf32> -> vector<1024x64xf32>
    %add3A_87 = arith.addf %add3A_76, %dot_general3A_86 : vector<1024x64xf32>
    %slice3A_88 = vector.extract_strided_slice %get3A_27 {offsets = [0, 5, 0, 0], sizes = [128, 1, 8, 128], strides = [1, 1, 1, 1]} : vector<128x7x8x128xf32> to vector<128x1x8x128xf32>
    %squeeze3A_89 = vector.shape_cast %slice3A_88 : vector<128x1x8x128xf32> to vector<128x8x128xf32>
    %reshape3A_90 = vector.shape_cast %squeeze3A_89 : vector<128x8x128xf32> to vector<1024x128xf32>
    %get3A_91 = arith.constant 5 : index
    %get3A_92 = arith.constant 0 : index
    %get3A_93 = arith.constant 0 : index
    %get3A_94 = vector.load %arg3[%get3A_91, %get3A_92, %get3A_93] : memref<7x128x64xf32, #tpu.memory_space<vmem>>, vector<1x128x64xf32>
    %get3A_95 = vector.shape_cast %get3A_94 : vector<1x128x64xf32> to vector<128x64xf32>
    %dot_general3A_96 = arith.constant dense<0.000000e+00> : vector<1024x64xf32>
    %dot_general3A_97 = tpu.matmul %reshape3A_90, %get3A_95, %dot_general3A_96 {dimension_numbers = #tpu.dot_dimension_numbers<[1], [0], [0], [1], [0, 0, 1, 1], [], []>, transpose_lhs_hint = false} : vector<1024x128xf32>, vector<128x64xf32>, vector<1024x64xf32> -> vector<1024x64xf32>
    %add3A_98 = arith.addf %add3A_87, %dot_general3A_97 : vector<1024x64xf32>
    %slice3A_99 = vector.extract_strided_slice %get3A_27 {offsets = [0, 6, 0, 0], sizes = [128, 1, 8, 128], strides = [1, 1, 1, 1]} : vector<128x7x8x128xf32> to vector<128x1x8x128xf32>
    %squeeze3A_100 = vector.shape_cast %slice3A_99 : vector<128x1x8x128xf32> to vector<128x8x128xf32>
    %reshape3A_101 = vector.shape_cast %squeeze3A_100 : vector<128x8x128xf32> to vector<1024x128xf32>
    %get3A_102 = arith.constant 6 : index
    %get3A_103 = arith.constant 0 : index
    %get3A_104 = arith.constant 0 : index
    %get3A_105 = vector.load %arg3[%get3A_102, %get3A_103, %get3A_104] : memref<7x128x64xf32, #tpu.memory_space<vmem>>, vector<1x128x64xf32>
    %get3A_106 = vector.shape_cast %get3A_105 : vector<1x128x64xf32> to vector<128x64xf32>
    %dot_general3A_107 = arith.constant dense<0.000000e+00> : vector<1024x64xf32>
    %dot_general3A_108 = tpu.matmul %reshape3A_101, %get3A_106, %dot_general3A_107 {dimension_numbers = #tpu.dot_dimension_numbers<[1], [0], [0], [1], [0, 0, 1, 1], [], []>, transpose_lhs_hint = false} : vector<1024x128xf32>, vector<128x64xf32>, vector<1024x64xf32> -> vector<1024x64xf32>
    %add3A_109 = arith.addf %add3A_98, %dot_general3A_108 : vector<1024x64xf32>
    %add3A_110 = vector.broadcast %slice3A : vector<1x64xf32> to vector<1024x64xf32>
    %add3A_111 = arith.addf %add3A_109, %add3A_110 : vector<1024x64xf32>
    %max3A = arith.constant 0.000000e+00 : f32
    %max3A_112 = vector.broadcast %max3A : f32 to vector<1024x64xf32>
    %max3A_113 = arith.maximumf %add3A_111, %max3A_112 : vector<1024x64xf32>
    %mul3A_114 = vector.broadcast %mul3A : vector<1x64xf32> to vector<1024x64xf32>
    %mul3A_115 = arith.mulf %max3A_113, %mul3A_114 : vector<1024x64xf32>
    %add3A_116 = vector.broadcast %sub3A : vector<1x64xf32> to vector<1024x64xf32>
    %add3A_117 = arith.addf %mul3A_115, %add3A_116 : vector<1024x64xf32>
    %get3A_118 = arith.constant 0 : index
    %get3A_119 = arith.constant 0 : index
    %get3A_120 = vector.load %arg5[%get3A_118, %get3A_119] : memref<64x64xf32, #tpu.memory_space<vmem>>, vector<64x64xf32>
    %dot_general3A_121 = arith.constant dense<0.000000e+00> : vector<1024x64xf32>
    %dot_general3A_122 = tpu.matmul %add3A_117, %get3A_120, %dot_general3A_121 {dimension_numbers = #tpu.dot_dimension_numbers<[1], [0], [0], [1], [0, 0, 1, 1], [], []>, transpose_lhs_hint = false} : vector<1024x64xf32>, vector<64x64xf32>, vector<1024x64xf32> -> vector<1024x64xf32>
    %add3A_123 = vector.broadcast %slice3A_9 : vector<1x64xf32> to vector<1024x64xf32>
    %add3A_124 = arith.addf %dot_general3A_122, %add3A_123 : vector<1024x64xf32>
    %max3A_125 = arith.constant 0.000000e+00 : f32
    %max3A_126 = vector.broadcast %max3A_125 : f32 to vector<1024x64xf32>
    %max3A_127 = arith.maximumf %add3A_124, %max3A_126 : vector<1024x64xf32>
    %mul3A_128 = vector.broadcast %mul3A_16 : vector<1x64xf32> to vector<1024x64xf32>
    %mul3A_129 = arith.mulf %max3A_127, %mul3A_128 : vector<1024x64xf32>
    %add3A_130 = vector.broadcast %sub3A_20 : vector<1x64xf32> to vector<1024x64xf32>
    %add3A_131 = arith.addf %mul3A_129, %add3A_130 : vector<1024x64xf32>
    %mul3A_132 = vector.broadcast %slice3A_21 : vector<1x64xf32> to vector<1024x64xf32>
    %mul3A_133 = arith.mulf %add3A_131, %mul3A_132 : vector<1024x64xf32>
    %reduce_sum3A = arith.constant dense<0.000000e+00> : vector<1024xf32>
    %reduce_sum3A_134 = vector.multi_reduction <add>, %mul3A_133, %reduce_sum3A [1] : vector<1024x64xf32> to vector<1024xf32>
    %broadcast_in_dim3A = vector.shape_cast %reduce_sum3A_134 : vector<1024xf32> to vector<1024x1xf32>
    %add3A_135 = vector.broadcast %slice3A_22 : vector<1x1xf32> to vector<1024x1xf32>
    %add3A_136 = arith.addf %broadcast_in_dim3A, %add3A_135 : vector<1024x1xf32>
    %logistic3A = arith.negf %add3A_136 : vector<1024x1xf32>
    %logistic3A_137 = math.exp %logistic3A : vector<1024x1xf32>
    %logistic3A_138 = arith.constant 1.000000e+00 : f32
    %logistic3A_139 = vector.broadcast %logistic3A_138 : f32 to vector<1024x1xf32>
    %logistic3A_140 = arith.addf %logistic3A_139, %logistic3A_137 : vector<1024x1xf32>
    %logistic3A_141 = arith.divf %logistic3A_139, %logistic3A_140 : vector<1024x1xf32>
    %swap3A = arith.constant 0 : index
    %swap3A_142 = arith.constant 0 : index
    %swap3A_143 = vector.load %arg7[%swap3A, %swap3A_142] : memref<1024x1xf32, #tpu.memory_space<vmem>>, vector<1024x1xf32>
    tpu.vector_store %arg7[%swap3A, %swap3A_142], %logistic3A_141 {strides = array<i32>} : memref<1024x1xf32, #tpu.memory_space<vmem>>, vector<1024x1xf32>,
    return
  }
  func.func @transform_0(%arg0: i32) -> (i32, i32, i32, i32) {
    %c0_i32 = arith.constant 0 : i32
    %c0_i32_0 = arith.constant 0 : i32
    %c0_i32_1 = arith.constant 0 : i32
    %c0_i32_2 = arith.constant 0 : i32
    return %arg0, %c0_i32, %c0_i32_0, %c0_i32_1 : i32, i32, i32, i32
  }
  func.func @transform_1(%arg0: i32) -> (i32, i32) {
    %c0_i32 = arith.constant 0 : i32
    %c0_i32_0 = arith.constant 0 : i32
    return %arg0, %c0_i32 : i32, i32
  }
  func.func @transform_2(%arg0: i32) -> (i32, i32, i32) {
    %c0_i32 = arith.constant 0 : i32
    %c0_i32_0 = arith.constant 0 : i32
    %c0_i32_1 = arith.constant 0 : i32
    %c0_i32_2 = arith.constant 0 : i32
    return %c0_i32, %c0_i32_0, %c0_i32_1 : i32, i32, i32
  }
  func.func @transform_3(%arg0: i32) -> (i32, i32) {
    %c0_i32 = arith.constant 0 : i32
    %c0_i32_0 = arith.constant 0 : i32
    %c0_i32_1 = arith.constant 0 : i32
    return %c0_i32, %c0_i32_0 : i32, i32
  }
  func.func @transform_4(%arg0: i32) -> (i32, i32) {
    %c0_i32 = arith.constant 0 : i32
    %c0_i32_0 = arith.constant 0 : i32
    %c0_i32_1 = arith.constant 0 : i32
    return %c0_i32, %c0_i32_0 : i32, i32
  }
  func.func @transform_5(%arg0: i32) -> (i32, i32) {
    %c0_i32 = arith.constant 0 : i32
    %c0_i32_0 = arith.constant 0 : i32
    %c0_i32_1 = arith.constant 0 : i32
    return %c0_i32, %c0_i32_0 : i32, i32
  }
  func.func @transform_6(%arg0: i32) -> (i32, i32) {
    %c0_i32 = arith.constant 0 : i32
    %c0_i32_0 = arith.constant 0 : i32
    return %arg0, %c0_i32 : i32, i32
  }
}

</mosaic_0001>

<sc_bundles>
// kernel: kernel.5.cloned.1.call-start
scs
__scs_entry_jumppad:
0x0: {  	(pc) =	sbr.rel $0x88, $3  }
0x1: {  	(tag) =	ssettag $0x0;
	lr =	simm.s32 $0x1  }
0x2: {  	[smem:$0x3F90] =	sst lr;
	_ =	strace $0xD0000000  }
0x3: {  	_ = 	snop  }
0x4: {  	_ = 	snop  }
0x5: {  	_ = 	snop  }
0x6: {  	_ = 	snop  }
0x7: {  	_ = 	snop  }
__scs_overlays_trampoline_lowered:
0x8: {  	[smem:$0x3F9F] =	sst s0  }
0x9: {  	[smem:$0x3FA0] =	sst s1  }
0xa: {  	[smem:$0x3FA1] =	sst s2  }
0xb: {  	[smem:$0x3FA2] =	sst s3  }
0xc: {  	[smem:$0x3FA3] =	sst s4  }
0xd: {  	[smem:$0x3FA4] =	sst s5  }
0xe: {  	[smem:$0x3FA5] =	sst s6  }
0xf: {  	[smem:$0x3FA6] =	sst s7  }
0x10: {  	[smem:$0x3FA7] =	sst s8  }
0x11: {  	[smem:$0x3FA8] =	sst s9;
	s0 =	simm.s32 @!p0 $0x0  }
0x12: {  	s1 =	sld [smem:$0x3F8E];
	s0 =	simm.s32 @p0 $0x1  }
0x13: {  	[smem:$0x3FA9] =	sst s0;
	s0 =	simm.s32 @!p1 $0x0  }
0x14: {  	s2 =	sld [smem:$0x3F8D];
	s0 =	simm.s32 @p1 $0x1  }
0x15: {  	[smem:$0x3FAA] =	sst s0;
	s0 =	simm.s32 @!p2 $0x0  }
0x16: {  	s3 =	sld [smem:$0x3FDB];
	s0 =	simm.s32 @p2 $0x1  }
0x17: {  	s4 =	simm.s32 $0x1BF5;
	[smem:$0x3FAC] =	sst s0  }
0x18: {  	s0 =	sld [smem:$0x3F8F];
	_ =	swait.ge [sflag:s4], $0x0  }
0x19: {  	s7 =	sld [smem:$0x3F90]  }
0x1a: {  	s8 =	sadd.s32 $0xFFFFE003, lr  }
0x1b: {  	s9 =	sadd.s32 $0xFFFFFEF7, lr;
	s5 =	simm.s32 $0xFFFFFFFF;
	p2 =	slt.u32 s8, $0xFFFFF086  }
0x1c: {  	p1 =	slt.u32 s9, $0xF7A;
	s5 =	simm.s32 @!p2 $0x0  }
0x1d: {  	s5 =	simm.s32 @p1 $0x1;
	p0 =	seq.s32 s7, s2  }
0x1e: {  	s7 =	smul.u32 @!p0 $0xF7A, s2;
	p2 =	seq.s32 @!p0 s5, $0x0  }
0x1f: {  	s9 =	smul.u32 $0xF7A, s1;
	s8 =	simm.s32 @!p0 $0x1BF5;
	p2 =	por !p2, p0  }
0x20: {  	[sflag:s8] =	ssyncset.s32 @!p0 $0xFFFFF086;
	s6 =	sadd.s32 @!p0 s3, s7;
	s7 =	simm.s32 @!p0 $0x108  }
0x21: {  	s3 =	sadd.s32 s3, s9;
	s6 =	sadd.s32 @!p0 $0x88, s6;
	s7 =	simm.s32 @p2 $0x1082  }
0x22: {  	[simem:s7], [sflag:s8] =	dma.local @!p0 [hbm:s6], $0xF7A  }
0x23: {  	s9 =	sor.u32 $0xD0000000, s2;
	s6 =	simm.s32 $0x108;
	_ =	swait.ge @!p0 [sflag:s8], $0x0  }
0x24: {  	s3 =	sadd.s32 $0x88, s3;
	s6 =	simm.s32 @!p1 $0x1082;
	[sflag:s4] =	ssyncset.s32 $0xFFFFF086  }
0x25: {  	[simem:s6], [sflag:s4] =	dma.local [hbm:s3], $0xF7A  }
0x26: {  	[smem:$0x3F90] =	sst s1;
	(tag) =	ssettag s2;
	_ =	strace s9  }
0x27: {  	s1 =	sld [smem:$0x3FA0]  }
0x28: {  	s2 =	sld [smem:$0x3FA1]  }
0x29: {  	s4 =	sld [smem:$0x3FA3]  }
0x2a: {  	p0 =	seq.s32 s5, $0x0;
	s5 =	sld [smem:$0x3FA4]  }
0x2b: {  	s6 =	sld [smem:$0x3FA5]  }
0x2c: {  	s7 =	sld [smem:$0x3FA6]  }
0x2d: {  	s3 =	simm.s32 $0x108;
	s8 =	sld [smem:$0x3FA7]  }
0x2e: {  	s3 =	simm.s32 @!p0 $0x1082;
	s9 =	sld [smem:$0x3FA8]  }
0x2f: {  	lr =	sadd.s32 s0, s3;
	s0 =	sld [smem:$0x3F9F]  }
0x30: {  	s3 =	sld [smem:$0x3FA2]  }
0x31: {  	[smem:$0x3FAB] =	sst s10  }
0x32: {  	s10 =	sld [smem:$0x3FA9];
	_ =	sdelay $0x3  }
0x33: {  	p0 =	seq.s32 s10, $0x1;
	s10 =	sld [smem:$0x3FAB];
	_ =	sdelay $0x3  }
0x34: {  	[smem:$0x3FAB] =	sst s10  }
0x35: {  	s10 =	sld [smem:$0x3FAA];
	_ =	sdelay $0x3  }
0x36: {  	p1 =	seq.s32 s10, $0x1;
	s10 =	sld [smem:$0x3FAB];
	_ =	sdelay $0x3  }
0x37: {  	[smem:$0x3FAB] =	sst s10  }
0x38: {  	s10 =	sld [smem:$0x3FAC]  }
0x39: {  	_ = 	snop;
	(pc) =	sbr.ind lr, $3  }
0x3a: {  	_ = 	snop  }
0x3b: {  	_ = 	snop  }
0x3c: {  	p2 =	seq.s32 s10, $0x1;
	s10 =	sld [smem:$0x3FAB]  }
0x3d: {  	_ =	shalt  }
0x3e: {  	_ =	shalt  }
0x3f: {  	_ =	shalt  }
0x40: {  	_ =	shalt  }
0x41: {  	_ =	shalt  }
0x42: {  	_ =	shalt  }
0x43: {  	_ =	shalt  }
0x44: {  	_ =	shalt  }
0x45: {  	_ =	shalt  }
0x46: {  	_ =	shalt  }
0x47: {  	_ =	shalt  }
0x48: {  	_ =	shalt  }
0x49: {  	_ =	shalt  }
0x4a: {  	_ =	shalt  }
0x4b: {  	_ =	shalt  }
0x4c: {  	_ =	shalt  }
0x4d: {  	_ =	shalt  }
0x4e: {  	_ =	shalt  }
0x4f: {  	_ =	shalt  }
0x50: {  	_ =	shalt  }
0x51: {  	_ =	shalt  }
0x52: {  	_ =	shalt  }
0x53: {  	_ =	shalt  }
0x54: {  	_ =	shalt  }
0x55: {  	_ =	shalt  }
0x56: {  	_ =	shalt  }
0x57: {  	_ =	shalt  }
0x58: {  	_ =	shalt  }
0x59: {  	_ =	shalt  }
0x5a: {  	_ =	shalt  }
0x5b: {  	_ =	shalt  }
0x5c: {  	_ =	shalt  }
0x5d: {  	_ =	shalt  }
0x5e: {  	_ =	shalt  }
0x5f: {  	_ =	shalt  }
0x60: {  	_ =	shalt  }
0x61: {  	_ =	shalt  }
0x62: {  	_ =	shalt  }
0x63: {  	_ =	shalt  }
0x64: {  	_ =	shalt  }
0x65: {  	_ =	shalt  }
0x66: {  	_ =	shalt  }
0x67: {  	_ =	shalt  }
0x68: {  	_ =	shalt  }
0x69: {  	_ =	shalt  }
0x6a: {  	_ =	shalt  }
0x6b: {  	_ =	shalt  }
0x6c: {  	_ =	shalt  }
0x6d: {  	_ =	shalt  }
0x6e: {  	_ =	shalt  }
0x6f: {  	_ =	shalt  }
0x70: {  	_ =	shalt  }
0x71: {  	_ =	shalt  }
0x72: {  	_ =	shalt  }
0x73: {  	_ =	shalt  }
0x74: {  	_ =	shalt  }
0x75: {  	_ =	shalt  }
0x76: {  	_ =	shalt  }
0x77: {  	_ =	shalt  }
0x78: {  	_ =	shalt  }
0x79: {  	_ =	shalt  }
0x7a: {  	_ =	shalt  }
0x7b: {  	_ =	shalt  }
0x7c: {  	_ =	shalt  }
0x7d: {  	_ =	shalt  }
0x7e: {  	_ =	shalt  }
0x7f: {  	_ =	shalt  }
0x80: {  	_ =	shalt  }
0x81: {  	_ =	shalt  }
0x82: {  	_ =	shalt  }
0x83: {  	_ =	shalt  }
0x84: {  	_ =	shalt  }
0x85: {  	_ =	shalt  }
0x86: {  	_ =	shalt  }
0x87: {  	_ =	shalt  }
.Lfunc_end0:
.L_simem_size_0:
called_computation_lowered:
.L_overlay_start_0:
0x88: {  	s2 =	sld [smem:$0x3FD9]  }
0x89: {  	s3 =	sld [smem:$0x3FFE];
	_ =	sdelay $0x1  }
0x8a: {  	s1 =	srdreg.scid  }
0x8b: {  	s0 =	sand.u32 $0x1, s1  }
0x8c: {  	s17 =	sshll.u32 s0, $0xA;
	s2 =	sadd.s32 s3, s2  }
0x8d: {  	s2 =	sadd.s32 s2, s17  }
0x8e: {  	[smem:$0x3FB7] =	sst s2  }
0x8f: {  	_ = 	snop  }
0x90: {  	s2 =	sld [smem:$0x3FD0];
	(tm) =	ssettm $0x1  }
0x91: {  	s18 =	sld [smem:$0x3FFB];
	_ =	sdelay $0x3  }
0x92: {  	_ =	strace s18  }
0x93: {  	s3 =	sld [smem:$0x3FFC];
	_ =	sdelay $0x3  }
0x94: {  	_ =	strace s3  }
0x95: {  	s3 =	sld [smem:$0x3FFD];
	_ =	sdelay $0x3  }
0x96: {  	_ =	strace s3  }
0x97: {  	_ =	strace $0x8FFFFFFF  }
0x98: {  	s19 =	sld [smem:$0x3FDB];
	_ =	sdelay $0x1  }
0x99: {  	s4 =	simm.s32 $_scs_section_size  }
0x9a: {  	s5 =	simm.s32 $_size__tile_overlayer_lowered;
	s6 =	simm.s32 $_tile_overlayer_lowered  }
0x9b: {  	s22 =	simm.s32 $0x1BFF;
	s21 =	sshll.u32 s6, $0x1;
	s3 =	sadd.s32 s4, s19  }
0x9c: {  	s7 =	simm.s32 $0x0;
	s20 =	sshll.u32 s5, $0x1;
	s5 =	sadd.s32 s21, s3  }
0x9d: {  	[timem:s7], [sflag:s22] =	dma.local [hbm:s5], s20  }
0x9e: {  	_ =	swait.ge [sflag:s22], s20  }
0x9f: {  	s4 =	ssub.s32 $0x0, s20;
	[sflag:s22] =	ssyncset.done $0x0  }
0xa0: {  	[sflag:s22] =	ssyncadd.s32 s4;
	_ =	sdelay $0x1  }
0xa1: {  	s23 =	simm.s32 $0x1B8B  }
0xa2: {  	_ =	swait.ge [sflag:s23], $0x1  }
0xa3: {  	[sflag:s23] =	ssyncset.done $0x0  }
0xa4: {  	s25 =	simm.s32 $0x1B8E;
	s24 =	sld [smem:$0x3FFE];
	[sflag:s23] =	ssyncadd.s32 $0xFFFFFFFF  }
0xa5: {  	s26 =	simm.s32 $execute0_lowered;
	[smem:$0x3FD2] =	sst s25  }
0xa6: {  	s5 =	sshll.u32 s26, $0x1;
	_ =	strace $0x80000046;
	[dreg:$0x1] =	wrdreg $0xFFFFFFFF  }
0xa7: {  	s28 =	simm.s32 $_size_execute0_lowered;
	s3 =	sadd.s32 s3, s5;
	[dreg:$0x0] =	wrdreg $0x0  }
0xa8: {  	s5 =	sshll.u32 s28, $0x1;
	[dreg:$0x2] =	wrdreg s3  }
0xa9: {  	[dreg:$0x3] =	wrdreg s5  }
0xaa: {  	[dreg:$0x4] =	wrdreg $0xC0  }
0xab: {  	_ =	task [dreg:s7], $0x5FFFF  }
0xac: {  	[dreg:$0x1] =	wrdreg $0xFFFFFFFF  }
0xad: {  	[dreg:$0x0] =	wrdreg $0x60  }
0xae: {  	[dreg:$0x2] =	wrdreg s24  }
0xaf: {  	[dreg:$0x3] =	wrdreg s2  }
0xb0: {  	[dreg:$0x4] =	wrdreg $0x9  }
0xb1: {  	_ =	task.clear_ibuf [dreg:s7], $0x5FFFF;
	_ =	strace $0x90000046  }
0xb2: {  	s29 =	simm.s32 $0x9;
	_ =	strace $0x80000048  }
0xb3: {  	_ =	swait.ge [sflag:s29], $0x1  }
0xb4: {  	[sflag:s29] =	ssyncadd.s32 $0xFFFFFFFF  }
0xb5: {  	_ =	strace $0x90000048  }
0xb6: {  	_ =	sfence  }
0xb7: {  	s30 =	sld [smem:$0x0];
	_ =	sdelay $0x2  }
0xb8: {  	s31 =	sshll.u32 s1, $0xD;
	s1 =	sshrl.u32 s1, $0x2  }
0xb9: {  	s3 =	sand.u32 $0x4000, s31;
	s1 =	sadd.s32 s1, s30  }
0xba: {  	s0 =	sor.u32 s3, s0;
	s1 =	sshll.u32 s1, $0x11  }
0xbb: {  	s0 =	sor.u32 s1, s0  }
0xbc: {  	s0 =	sadd.s32 $0x8F2B, s0  }
0xbd: {  	[sflag:s0] =	ssyncadd.remote.s32 $0x1  }
0xbe: {  	_ =	sfence.sel $0xFFFF  }
0xbf: {  	[dreg:$0x0] =	wrdreg $0xFFFFFFFF;
	(pc) =	sbr.abs _section_cstart, $3  }
0xc0: {  	[dreg:$0x1] =	wrdreg $0xFFFFFFFF  }
0xc1: {  	_ =	task.clear_ibuf [dreg:s7], $0x2FFFF;
	_ =	strace $0x9FFFFFFF  }
0xc2: {  	(tm) =	ssettm $0x7FFFFFFF  }
0xc3: {  	_ =	shalt  }
tec
execute0_lowered:
.L_overlay_start_1:
0x0: {  	(tag) =	ssettag $0x1  }
0x1: {  	s0 =	srdreg.scid  }
0x2: {  	s4 =	stileid.u32;
	s1 =	rddreg [dreg:$0x0]  }
0x3: {  	s3 =	simm.s32 $0x0;
	s10 =	simm.s32 $0x80;
	s11 =	simm.s32 $0x1  }
0x4: {  	s13 =	simm.s32 $0xA800;
	s20 =	simm.s32 $0x13800;
	s21 =	simm.s32 $0x14800  }
0x5: {  	s22 =	simm.s32 $0x15800;
	s23 =	simm.s32 $0x16800;
	s24 =	simm.s32 $0x17800  }
0x6: {  	s25 =	simm.s32 $0x18800;
	s26 =	simm.s32 $0x19800;
	s28 =	simm.s32 $0x11800  }
0x7: {  	s29 =	simm.s32 $0x12800;
	s30 =	simm.s32 $0x2;
	s31 =	simm.s32 $0x0  }
0x8: {  	s0 =	sand.u32 $0x1, s0;
	s2 =	sshll.u32 s4, $0x1;
	[smem:$0x7FF] =	sst s3  }
0x9: {  	s6 =	smul.u32 $0xE0000, s4;
	_ =	strace $0x80000047;
	[dreg:$0x5] =	wrdreg s20  }
0xa: {  	s4 =	sadd.s32 $0x2600, s1;
	s5 =	sadd.s32 $0xB62600, s1;
	[dreg:$0x6] =	wrdreg s21  }
0xb: {  	s2 =	sor.u32 s0, s2;
	s7 =	smul.u32 $0x70000, s0;
	[dreg:$0x7] =	wrdreg s22  }
0xc: {  	s0 =	ssub.s32 $0x2, s0;
	s20 =	simm.s32 $0x3A00;
	[dreg:$0x8] =	wrdreg s23  }
0xd: {  	s21 =	simm.s32 $0xE800;
	[dreg:$0x9] =	wrdreg s24;
	s22 =	simm.s32 $0x3A80  }
0xe: {  	[dreg:$0xa] =	wrdreg s25;
	s23 =	simm.s32 $0xF800;
	s24 =	simm.s32 $0x3B00  }
0xf: {  	[dreg:$0xb] =	wrdreg s26;
	s25 =	simm.s32 $0x10800;
	s2 =	smul.u32 $0x700, s2  }
0x10: {  	s26 =	simm.s32 $0x3B80;
	s17 =	sshrl.u32 s0, $0x1;
	s6 =	sadd.s32 s7, s6  }
0x11: {  	s0 =	ssub.s32 s0, s17;
	s2 =	sadd.s32 s2, s1;
	s1 =	sadd.s32 $0xB7D600, s1  }
0x12: {  	s8 =	sshrl.u32 s6, $0x3;
	s6 =	sor.u32 $0x8000, s6;
	s7 =	smax.u32 s0, $0x1  }
0x13: {  	s18 =	sadd.s32 s8, s1;
	s19 =	sshrl.u32 s6, $0x3;
	s6 =	sadd.s32 $0xB6F600, s2  }
0x14: {  	s8 =	simm.s32 $0x3;
	[dreg:$0x3] =	wrdreg s18;
	s1 =	sadd.s32 s19, s1  }
0x15: {  	s18 =	simm.s32 $0x3980;
	s19 =	simm.s32 $0xD800;
	[dreg:$0x4] =	wrdreg s1  }
.LBB2_1:
0x16: {  	[tilespmem:s3], [sflag:$0x3] =	stream.linear.gather [hbm4b:s6+s3], $0x3800, $0x38;
	[tilespmem:$0x1A800] =	vst v63  }
0x17: {  	_ =	swait.ge [sflag:s8], $0x3800  }
0x18: {  	[sflag:s8] =	ssyncset.done $0x0  }
0x19: {  	[sflag:s8] =	ssyncadd.s32 $0xFFFFC800  }
0x1a: {  	s1 =	simm.s32 $0x7000;
	s0 =	rddreg [dreg:$0x1]  }
0x1b: {  	[tilespmem:s1], [sflag:$0x3] =	stream.linear.gather [hbm4b:s0+s3], $0x3800, $0x38;
	[tilespmem:$0x1A800] =	vst v63  }
0x1c: {  	_ =	swait.ge [sflag:s8], $0x3800  }
0x1d: {  	[sflag:s8] =	ssyncset.done $0x0  }
0x1e: {  	s2 =	simm.s32 $0x3800;
	s1 =	simm.s32 $0x0;
	[sflag:s8] =	ssyncadd.s32 $0xFFFFC800  }
0x1f: {  	[tilespmem:s2], [sflag:$0x1] =	stream.indirect.gather [hbm4b:s5+s10], $0x1, s1, s10, $0xb8;
	[tilespmem:$0x1A800] =	vst v63  }
0x20: {  	s9 =	simm.s32 $0x3880;
	s12 =	simm.s32 $0x80  }
0x21: {  	[tilespmem:s9], [sflag:$0x1] =	stream.indirect.gather [hbm4b:s5+s10], $0x1, s12, s10, $0xb8;
	[tilespmem:$0x1A800] =	vst v63  }
0x22: {  	s14 =	simm.s32 $0x3900;
	s15 =	simm.s32 $0x100  }
0x23: {  	[tilespmem:s14], [sflag:$0x1] =	stream.indirect.gather [hbm4b:s5+s10], $0x1, s15, s10, $0xb8;
	[tilespmem:$0x1A800] =	vst v63  }
0x24: {  	s16 =	simm.s32 $0x3980;
	s17 =	simm.s32 $0x180  }
0x25: {  	[tilespmem:s16], [sflag:$0x1] =	stream.indirect.gather [hbm4b:s5+s10], $0x1, s17, s10, $0xb8;
	[tilespmem:$0x1A800] =	vst v63  }
0x26: {  	s1 =	simm.s32 $0x3A00;
	s2 =	simm.s32 $0x200  }
0x27: {  	[tilespmem:s1], [sflag:$0x1] =	stream.indirect.gather [hbm4b:s5+s10], $0x1, s2, s10, $0xb8;
	[tilespmem:$0x1A800] =	vst v63  }
0x28: {  	s9 =	simm.s32 $0x3A80;
	s12 =	simm.s32 $0x280  }
0x29: {  	[tilespmem:s9], [sflag:$0x1] =	stream.indirect.gather [hbm4b:s5+s10], $0x1, s12, s10, $0xb8;
	[tilespmem:$0x1A800] =	vst v63  }
0x2a: {  	s14 =	simm.s32 $0x3B00;
	s15 =	simm.s32 $0x300  }
0x2b: {  	[tilespmem:s14], [sflag:$0x1] =	stream.indirect.gather [hbm4b:s5+s10], $0x1, s15, s10, $0xb8;
	[tilespmem:$0x1A800] =	vst v63  }
0x2c: {  	s16 =	simm.s32 $0x3B80;
	s17 =	simm.s32 $0x380  }
0x2d: {  	[tilespmem:s16], [sflag:$0x1] =	stream.indirect.gather [hbm4b:s5+s10], $0x1, s17, s10, $0xb8;
	[tilespmem:$0x1A800] =	vst v63  }
0x2e: {  	_ =	swait.ge [sflag:s11], $0x80  }
0x2f: {  	[sflag:s11] =	ssyncset.done $0x0  }
0x30: {  	[sflag:s11] =	ssyncadd.s32 $0xFFFFFF80  }
0x31: {  	_ =	swait.ge [sflag:s11], $0x80  }
0x32: {  	[sflag:s11] =	ssyncset.done $0x0  }
0x33: {  	[sflag:s11] =	ssyncadd.s32 $0xFFFFFF80  }
0x34: {  	_ =	swait.ge [sflag:s11], $0x80  }
0x35: {  	[sflag:s11] =	ssyncset.done $0x0  }
0x36: {  	[sflag:s11] =	ssyncadd.s32 $0xFFFFFF80  }
0x37: {  	_ =	swait.ge [sflag:s11], $0x80  }
0x38: {  	[sflag:s11] =	ssyncset.done $0x0  }
0x39: {  	[sflag:s11] =	ssyncadd.s32 $0xFFFFFF80  }
0x3a: {  	_ =	swait.ge [sflag:s11], $0x80  }
0x3b: {  	[sflag:s11] =	ssyncset.done $0x0  }
0x3c: {  	[sflag:s11] =	ssyncadd.s32 $0xFFFFFF80  }
0x3d: {  	_ =	swait.ge [sflag:s11], $0x80  }
0x3e: {  	[sflag:s11] =	ssyncset.done $0x0  }
0x3f: {  	[sflag:s11] =	ssyncadd.s32 $0xFFFFFF80  }
0x40: {  	_ =	swait.ge [sflag:s11], $0x80  }
0x41: {  	[sflag:s11] =	ssyncset.done $0x0  }
0x42: {  	[sflag:s11] =	ssyncadd.s32 $0xFFFFFF80  }
0x43: {  	_ =	swait.ge [sflag:s11], $0x80  }
0x44: {  	s0 =	simm.s32 $0x2000;
	s2 =	simm.s32 $0x400;
	[sflag:s11] =	ssyncset.done $0x0  }
.LBB2_2:
0x45: {  	s12 =	sadd.s32 $0x3800, s2  }
0x46: {  	[sflag:s11] =	ssyncadd.s32 $0xFFFFFF80;
	s1 =	smov.u32 s0;
	s9 =	sadd.s32 $0x1000, s0  }
0x47: {  	[tilespmem:s12], [sflag:$0x1] =	stream.indirect.gather [hbm4b:s5+s10], $0x1, s2, s10, $0xb8;
	[tilespmem:$0x1A800] =	vst v63  }
0x48: {  	p0 =	sne.s32 s0, $0xD000;
	s0 =	sadd.s32 $0x3880, s2;
	s12 =	sadd.s32 $0x80, s2  }
0x49: {  	[tilespmem:s0], [sflag:$0x1] =	stream.indirect.gather [hbm4b:s5+s10], $0x1, s12, s10, $0xb8;
	[tilespmem:$0x1A800] =	vst v63  }
0x4a: {  	s0 =	sadd.s32 $0x3900, s2;
	s12 =	sadd.s32 $0x100, s2  }
0x4b: {  	[tilespmem:s0], [sflag:$0x1] =	stream.indirect.gather [hbm4b:s5+s10], $0x1, s12, s10, $0xb8;
	[tilespmem:$0x1A800] =	vst v63  }
0x4c: {  	s0 =	sadd.s32 $0x3980, s2;
	s12 =	sadd.s32 $0x180, s2  }
0x4d: {  	[tilespmem:s0], [sflag:$0x1] =	stream.indirect.gather [hbm4b:s5+s10], $0x1, s12, s10, $0xb8;
	[tilespmem:$0x1A800] =	vst v63  }
0x4e: {  	s0 =	sadd.s32 $0x3A00, s2;
	s12 =	sadd.s32 $0x200, s2  }
0x4f: {  	[tilespmem:s0], [sflag:$0x1] =	stream.indirect.gather [hbm4b:s5+s10], $0x1, s12, s10, $0xb8;
	[tilespmem:$0x1A800] =	vst v63  }
0x50: {  	s0 =	sadd.s32 $0x3A80, s2;
	s12 =	sadd.s32 $0x280, s2  }
0x51: {  	[tilespmem:s0], [sflag:$0x1] =	stream.indirect.gather [hbm4b:s5+s10], $0x1, s12, s10, $0xb8;
	[tilespmem:$0x1A800] =	vst v63  }
0x52: {  	s0 =	sadd.s32 $0x3B00, s2;
	s12 =	sadd.s32 $0x300, s2  }
0x53: {  	[tilespmem:s0], [sflag:$0x1] =	stream.indirect.gather [hbm4b:s5+s10], $0x1, s12, s10, $0xb8;
	[tilespmem:$0x1A800] =	vst v63  }
0x54: {  	s0 =	sadd.s32 $0x3B80, s2;
	s2 =	sadd.s32 $0x380, s2  }
0x55: {  	[tilespmem:s0], [sflag:$0x1] =	stream.indirect.gather [hbm4b:s5+s10], $0x1, s2, s10, $0xb8;
	[tilespmem:$0x1A800] =	vst v63  }
0x56: {  	_ =	swait.ge [sflag:s11], $0x80  }
0x57: {  	[sflag:s11] =	ssyncset.done $0x0  }
0x58: {  	[sflag:s11] =	ssyncadd.s32 $0xFFFFFF80  }
0x59: {  	_ =	swait.ge [sflag:s11], $0x80  }
0x5a: {  	[sflag:s11] =	ssyncset.done $0x0  }
0x5b: {  	[sflag:s11] =	ssyncadd.s32 $0xFFFFFF80  }
0x5c: {  	_ =	swait.ge [sflag:s11], $0x80  }
0x5d: {  	[sflag:s11] =	ssyncset.done $0x0  }
0x5e: {  	[sflag:s11] =	ssyncadd.s32 $0xFFFFFF80  }
0x5f: {  	_ =	swait.ge [sflag:s11], $0x80  }
0x60: {  	[sflag:s11] =	ssyncset.done $0x0  }
0x61: {  	[sflag:s11] =	ssyncadd.s32 $0xFFFFFF80  }
0x62: {  	_ =	swait.ge [sflag:s11], $0x80  }
0x63: {  	[sflag:s11] =	ssyncset.done $0x0  }
0x64: {  	[sflag:s11] =	ssyncadd.s32 $0xFFFFFF80  }
0x65: {  	_ =	swait.ge [sflag:s11], $0x80  }
0x66: {  	[sflag:s11] =	ssyncset.done $0x0  }
0x67: {  	[sflag:s11] =	ssyncadd.s32 $0xFFFFFF80  }
.Ltmp0:
0x68: {  	_ =	swait.ge [sflag:s11], $0x80;
	(pc) =	sbr.rel @p0 .LBB2_2-.Ltmp0, $4  }
0x69: {  	[sflag:s11] =	ssyncset.done $0x0  }
0x6a: {  	[sflag:s11] =	ssyncadd.s32 $0xFFFFFF80  }
0x6b: {  	_ =	swait.ge [sflag:s11], $0x80  }
0x6c: {  	s2 =	sshra.s32 s1, $0x2;
	s0 =	smov.u32 s9;
	[sflag:s11] =	ssyncset.done $0x0  }
0x6d: {  	s0 =	sadd.s32 $0x3800, s2;
	[sflag:s11] =	ssyncadd.s32 $0xFFFFFF80  }
0x6e: {  	[tilespmem:s0], [sflag:$0x1] =	stream.indirect.gather [hbm4b:s5+s10], $0x1, s2, s10, $0xb8;
	[tilespmem:$0x1A800] =	vst v63  }
0x6f: {  	s17 =	sadd.s32 $0x3880, s2;
	s1 =	sadd.s32 $0x80, s2  }
0x70: {  	[tilespmem:s17], [sflag:$0x1] =	stream.indirect.gather [hbm4b:s5+s10], $0x1, s1, s10, $0xb8;
	[tilespmem:$0x1A800] =	vst v63  }
0x71: {  	s9 =	sadd.s32 $0x3900, s2;
	s12 =	sadd.s32 $0x100, s2  }
0x72: {  	[tilespmem:s9], [sflag:$0x1] =	stream.indirect.gather [hbm4b:s5+s10], $0x1, s12, s10, $0xb8;
	[tilespmem:$0x1A800] =	vst v63  }
0x73: {  	s14 =	sadd.s32 $0x3980, s2;
	s15 =	sadd.s32 $0x180, s2  }
0x74: {  	[tilespmem:s14], [sflag:$0x1] =	stream.indirect.gather [hbm4b:s5+s10], $0x1, s15, s10, $0xb8;
	[tilespmem:$0x1A800] =	vst v63  }
0x75: {  	s16 =	sadd.s32 $0x3A00, s2;
	s17 =	sadd.s32 $0x200, s2  }
0x76: {  	[tilespmem:s16], [sflag:$0x1] =	stream.indirect.gather [hbm4b:s5+s10], $0x1, s17, s10, $0xb8;
	[tilespmem:$0x1A800] =	vst v63  }
0x77: {  	s9 =	sadd.s32 $0x3A80, s2;
	s12 =	sadd.s32 $0x280, s2  }
0x78: {  	[tilespmem:s9], [sflag:$0x1] =	stream.indirect.gather [hbm4b:s5+s10], $0x1, s12, s10, $0xb8;
	[tilespmem:$0x1A800] =	vst v63  }
0x79: {  	s14 =	sadd.s32 $0x3B00, s2;
	s15 =	sadd.s32 $0x300, s2  }
0x7a: {  	[tilespmem:s14], [sflag:$0x1] =	stream.indirect.gather [hbm4b:s5+s10], $0x1, s15, s10, $0xb8;
	[tilespmem:$0x1A800] =	vst v63  }
0x7b: {  	s16 =	sadd.s32 $0x3B80, s2;
	s17 =	sadd.s32 $0x380, s2  }
0x7c: {  	[tilespmem:s16], [sflag:$0x1] =	stream.indirect.gather [hbm4b:s5+s10], $0x1, s17, s10, $0xb8;
	[tilespmem:$0x1A800] =	vst v63  }
0x7d: {  	_ =	swait.ge [sflag:s11], $0x80  }
0x7e: {  	[sflag:s11] =	ssyncset.done $0x0  }
0x7f: {  	[sflag:s11] =	ssyncadd.s32 $0xFFFFFF80  }
0x80: {  	_ =	swait.ge [sflag:s11], $0x80  }
0x81: {  	[sflag:s11] =	ssyncset.done $0x0  }
0x82: {  	[sflag:s11] =	ssyncadd.s32 $0xFFFFFF80  }
0x83: {  	_ =	swait.ge [sflag:s11], $0x80  }
0x84: {  	[sflag:s11] =	ssyncset.done $0x0  }
0x85: {  	[sflag:s11] =	ssyncadd.s32 $0xFFFFFF80  }
0x86: {  	_ =	swait.ge [sflag:s11], $0x80  }
0x87: {  	[sflag:s11] =	ssyncset.done $0x0  }
0x88: {  	[sflag:s11] =	ssyncadd.s32 $0xFFFFFF80  }
0x89: {  	_ =	swait.ge [sflag:s11], $0x80  }
0x8a: {  	[sflag:s11] =	ssyncset.done $0x0  }
0x8b: {  	[sflag:s11] =	ssyncadd.s32 $0xFFFFFF80  }
0x8c: {  	_ =	swait.ge [sflag:s11], $0x80  }
0x8d: {  	[sflag:s11] =	ssyncset.done $0x0  }
0x8e: {  	[sflag:s11] =	ssyncadd.s32 $0xFFFFFF80  }
0x8f: {  	_ =	swait.ge [sflag:s11], $0x80  }
0x90: {  	[sflag:s11] =	ssyncset.done $0x0  }
0x91: {  	[sflag:s11] =	ssyncadd.s32 $0xFFFFFF80  }
0x92: {  	_ =	swait.ge [sflag:s11], $0x80  }
0x93: {  	[sflag:s11] =	ssyncset.done $0x0  }
0x94: {  	s0 =	simm.s32 $0x0;
	[sflag:s11] =	ssyncadd.s32 $0xFFFFFF80  }
0x95: {  	v6 =	vld [tilespmem:s0+$0x7000]  }
0x96: {  	v5 =	vld [tilespmem:s0+$0x7010]  }
0x97: {  	v4 =	vld [tilespmem:s0+$0x7020]  }
0x98: {  	v3 =	vld [tilespmem:s0+$0x7030]  }
0x99: {  	v2 =	vld [tilespmem:s0+$0x7040]  }
0x9a: {  	v1 =	vld [tilespmem:s0+$0x7050]  }
0x9b: {  	v0 =	vld [tilespmem:s0+$0x7060]  }
0x9c: {  	v7 =	vld [tilespmem:s0+$0x3800]  }
0x9d: {  	v12 =	vld [tilespmem:s0+$0x3810]  }
0x9e: {  	v10 =	vld [tilespmem:s0+$0x3820]  }
0x9f: {  	v9 =	vld [tilespmem:s0+$0x3830]  }
0xa0: {  	v8 =	vld [tilespmem:s0+$0x3840]  }
0xa1: {  	v11 =	vshll.u32 v7, $0x2;
	v7 =	vld [tilespmem:s0+$0x3850]  }
0xa2: {  	s1 =	simm.s32 $0x200;
	v12 =	vshll.u32 v12, $0x2;
	v11 =	vadd.s32 v6, v11;
	v6 =	vld [tilespmem:s0+$0x3860]  }
.LBB2_4:
0xa3: {  	p0 =	sne.s32 s1, $0xDE00;
	[tilespmem:s0+$0x3800] =	vst v11;
	v5 =	vadd.s32 v5, v12;
	v10 =	vshll.u32 v10, $0x2;
	v11 =	vld [tilespmem:s0+$0x3870]  }
0xa4: {  	s2 =	sshra.s32 s1, $0x2;
	[tilespmem:s0+$0x3810] =	vst v5;
	v4 =	vadd.s32 v4, v10;
	v5 =	vshll.u32 v9, $0x2;
	v9 =	vld [tilespmem:s0+$0x7070]  }
0xa5: {  	v12 =	vld [tilespmem:s2+$0x7000];
	[tilespmem:s0+$0x3820] =	vst v4;
	v3 =	vadd.s32 v3, v5;
	v4 =	vshll.u32 v8, $0x2  }
0xa6: {  	v5 =	vld [tilespmem:s2+$0x7010];
	[tilespmem:s0+$0x3830] =	vst v3;
	v2 =	vadd.s32 v2, v4;
	v3 =	vshll.u32 v7, $0x2  }
0xa7: {  	v4 =	vld [tilespmem:s2+$0x7020];
	[tilespmem:s0+$0x3840] =	vst v2;
	v1 =	vadd.s32 v1, v3;
	v2 =	vshll.u32 v6, $0x2  }
0xa8: {  	v3 =	vld [tilespmem:s2+$0x7030];
	[tilespmem:s0+$0x3850] =	vst v1;
	v0 =	vadd.s32 v0, v2;
	v1 =	vshll.u32 v11, $0x2  }
0xa9: {  	v2 =	vld [tilespmem:s2+$0x7040];
	[tilespmem:s0+$0x3860] =	vst v0;
	v0 =	vadd.s32 v9, v1  }
0xaa: {  	v1 =	vld [tilespmem:s2+$0x7050];
	[tilespmem:s0+$0x3870] =	vst v0;
	s0 =	smov.u32 s2  }
0xab: {  	v0 =	vld [tilespmem:s0+$0x7060]  }
0xac: {  	v6 =	vld [tilespmem:s0+$0x3800]  }
0xad: {  	v13 =	vld [tilespmem:s0+$0x3810]  }
.Ltmp1:
0xae: {  	v10 =	vld [tilespmem:s0+$0x3820];
	(pc) =	sbr.rel @p0 .LBB2_4-.Ltmp1, $4  }
0xaf: {  	v9 =	vld [tilespmem:s0+$0x3830]  }
0xb0: {  	v8 =	vld [tilespmem:s0+$0x3840]  }
0xb1: {  	v6 =	vshll.u32 v6, $0x2;
	v7 =	vld [tilespmem:s0+$0x3850]  }
0xb2: {  	s1 =	sadd.s32 $0x200, s1;
	v11 =	vadd.s32 v12, v6;
	v12 =	vshll.u32 v13, $0x2;
	v6 =	vld [tilespmem:s0+$0x3860]  }
0xb3: {  	[tilespmem:s0+$0x3800] =	vst v11;
	v5 =	vadd.s32 v5, v12;
	v56 =	vld [tilespmem:s0+$0x3870];
	v10 =	vshll.u32 v10, $0x2  }
0xb4: {  	v58 =	vld [tilespmem:s0+$0x7070];
	[tilespmem:s0+$0x3810] =	vst v5;
	v4 =	vadd.s32 v4, v10;
	v57 =	vshll.u32 v9, $0x2  }
0xb5: {  	[tilespmem:s0+$0x3820] =	vst v4;
	v3 =	vadd.s32 v3, v57;
	v59 =	vshll.u32 v8, $0x2  }
0xb6: {  	[tilespmem:s0+$0x3830] =	vst v3;
	v2 =	vadd.s32 v2, v59;
	v60 =	vshll.u32 v7, $0x2  }
0xb7: {  	[tilespmem:s0+$0x3840] =	vst v2;
	v1 =	vadd.s32 v1, v60;
	v61 =	vshll.u32 v6, $0x2  }
0xb8: {  	[tilespmem:s0+$0x3850] =	vst v1;
	v0 =	vadd.s32 v0, v61;
	v62 =	vshll.u32 v56, $0x2  }
0xb9: {  	[tilespmem:s0+$0x3860] =	vst v0;
	v63 =	vadd.s32 v58, v62  }
0xba: {  	s1 =	simm.s32 $0x3800;
	[tilespmem:s0+$0x3870] =	vst v63  }
0xbb: {  	[tilespmem:s13], [sflag:$0x1] =	stream.indirect.gather [hbm4b:s4+s10], $0x20, s1, s10, $0xb8;
	[tilespmem:$0x1A800] =	vst v63  }
0xbc: {  	s2 =	simm.s32 $0x3880;
	s1 =	simm.s32 $0xB800  }
0xbd: {  	[tilespmem:s1], [sflag:$0x1] =	stream.indirect.gather [hbm4b:s4+s10], $0x20, s2, s10, $0xb8;
	[tilespmem:$0x1A800] =	vst v63  }
0xbe: {  	s9 =	simm.s32 $0x3900;
	s12 =	simm.s32 $0xC800  }
0xbf: {  	[tilespmem:s12], [sflag:$0x1] =	stream.indirect.gather [hbm4b:s4+s10], $0x20, s9, s10, $0xb8;
	[tilespmem:$0x1A800] =	vst v63  }
0xc0: {  	_ = 	snop  }
0xc1: {  	[tilespmem:s19], [sflag:$0x1] =	stream.indirect.gather [hbm4b:s4+s10], $0x20, s18, s10, $0xb8;
	[tilespmem:$0x1A800] =	vst v63  }
0xc2: {  	_ = 	snop  }
0xc3: {  	[tilespmem:s21], [sflag:$0x1] =	stream.indirect.gather [hbm4b:s4+s10], $0x20, s20, s10, $0xb8;
	[tilespmem:$0x1A800] =	vst v63  }
0xc4: {  	_ = 	snop  }
0xc5: {  	[tilespmem:s23], [sflag:$0x1] =	stream.indirect.gather [hbm4b:s4+s10], $0x20, s22, s10, $0xb8;
	[tilespmem:$0x1A800] =	vst v63  }
0xc6: {  	_ = 	snop  }
0xc7: {  	[tilespmem:s25], [sflag:$0x1] =	stream.indirect.gather [hbm4b:s4+s10], $0x20, s24, s10, $0xb8;
	[tilespmem:$0x1A800] =	vst v63  }
0xc8: {  	_ = 	snop  }
0xc9: {  	[tilespmem:s28], [sflag:$0x1] =	stream.indirect.gather [hbm4b:s4+s10], $0x20, s26, s10, $0xb8;
	[tilespmem:$0x1A800] =	vst v63  }
0xca: {  	_ =	swait.ge [sflag:s11], $0x1000  }
0xcb: {  	[sflag:s11] =	ssyncset.done $0x0  }
0xcc: {  	[sflag:s11] =	ssyncadd.s32 $0xFFFFF000  }
0xcd: {  	_ =	swait.ge [sflag:s11], $0x1000  }
0xce: {  	[sflag:s11] =	ssyncset.done $0x0  }
0xcf: {  	[sflag:s11] =	ssyncadd.s32 $0xFFFFF000  }
0xd0: {  	_ =	swait.ge [sflag:s11], $0x1000  }
0xd1: {  	[sflag:s11] =	ssyncset.done $0x0  }
0xd2: {  	[sflag:s11] =	ssyncadd.s32 $0xFFFFF000  }
0xd3: {  	_ =	swait.ge [sflag:s11], $0x1000  }
0xd4: {  	[sflag:s11] =	ssyncset.done $0x0  }
0xd5: {  	[sflag:s11] =	ssyncadd.s32 $0xFFFFF000  }
0xd6: {  	_ =	swait.ge [sflag:s11], $0x1000  }
0xd7: {  	[sflag:s11] =	ssyncset.done $0x0  }
0xd8: {  	[sflag:s11] =	ssyncadd.s32 $0xFFFFF000  }
0xd9: {  	_ =	swait.ge [sflag:s11], $0x1000  }
0xda: {  	[sflag:s11] =	ssyncset.done $0x0  }
0xdb: {  	[sflag:s11] =	ssyncadd.s32 $0xFFFFF000  }
0xdc: {  	_ =	swait.ge [sflag:s11], $0x1000  }
0xdd: {  	[sflag:s11] =	ssyncset.done $0x0  }
0xde: {  	[sflag:s11] =	ssyncadd.s32 $0xFFFFF000  }
0xdf: {  	_ =	swait.ge [sflag:s11], $0x1000  }
0xe0: {  	[sflag:s11] =	ssyncset.done $0x0  }
0xe1: {  	s14 =	simm.s32 $0x3C00;
	s0 =	rddreg [dreg:$0x3];
	[sflag:s11] =	ssyncadd.s32 $0xFFFFF000  }
0xe2: {  	[tilespmem:s29], [sflag:$0x2] =	stream.indirect.gather [hbm4b:s4+s10], $0x20, s14, s10, $0xb8;
	[tilespmem:$0x1A800] =	vst v63  }
0xe3: {  	s15 =	simm.s32 $0x3C80;
	s2 =	rddreg [dreg:$0x5]  }
0xe4: {  	[tilespmem:s2], [sflag:$0x2] =	stream.indirect.gather [hbm4b:s4+s10], $0x20, s15, s10, $0xb8;
	[tilespmem:$0x1A800] =	vst v63  }
0xe5: {  	s16 =	simm.s32 $0x3D00;
	s9 =	rddreg [dreg:$0x6]  }
0xe6: {  	[tilespmem:s9], [sflag:$0x2] =	stream.indirect.gather [hbm4b:s4+s10], $0x20, s16, s10, $0xb8;
	[tilespmem:$0x1A800] =	vst v63  }
0xe7: {  	s17 =	rddreg [dreg:$0x7];
	s9 =	simm.s32 $0x3D80  }
0xe8: {  	[tilespmem:s17], [sflag:$0x2] =	stream.indirect.gather [hbm4b:s4+s10], $0x20, s9, s10, $0xb8;
	[tilespmem:$0x1A800] =	vst v63  }
0xe9: {  	s12 =	rddreg [dreg:$0x8];
	s14 =	simm.s32 $0x3E00  }
0xea: {  	[tilespmem:s12], [sflag:$0x2] =	stream.indirect.gather [hbm4b:s4+s10], $0x20, s14, s10, $0xb8;
	[tilespmem:$0x1A800] =	vst v63  }
0xeb: {  	s15 =	rddreg [dreg:$0x9];
	s16 =	simm.s32 $0x3E80  }
0xec: {  	[tilespmem:s15], [sflag:$0x2] =	stream.indirect.gather [hbm4b:s4+s10], $0x20, s16, s10, $0xb8;
	[tilespmem:$0x1A800] =	vst v63  }
0xed: {  	s17 =	rddreg [dreg:$0xa];
	s12 =	simm.s32 $0x3F00  }
0xee: {  	[tilespmem:s17], [sflag:$0x2] =	stream.indirect.gather [hbm4b:s4+s10], $0x20, s12, s10, $0xb8;
	[tilespmem:$0x1A800] =	vst v63  }
0xef: {  	s14 =	rddreg [dreg:$0xb];
	s15 =	simm.s32 $0x3F80  }
0xf0: {  	[tilespmem:s14], [sflag:$0x2] =	stream.indirect.gather [hbm4b:s4+s10], $0x20, s15, s10, $0xb8;
	[tilespmem:$0x1A800] =	vst v63  }
0xf1: {  	s0 =	sadd.s32 $0x0, s0  }
0xf2: {  	[hbm4b:s0+s3] =	stream.linear.scatter [tilespmem:s13], [sflag:$0x3], $0x8000, $0x38;
	[tilespmem:$0x1A800] =	vst v63  }
0xf3: {  	_ =	swait.ge [sflag:s8], $0x8000  }
0xf4: {  	[sflag:s8] =	ssyncset.done $0x0  }
0xf5: {  	[sflag:s8] =	ssyncadd.s32 $0xFFFF8000  }
0xf6: {  	_ =	swait.ge [sflag:s30], $0x1000  }
0xf7: {  	[sflag:s30] =	ssyncset.done $0x0  }
0xf8: {  	[sflag:s30] =	ssyncadd.s32 $0xFFFFF000  }
0xf9: {  	_ =	swait.ge [sflag:s30], $0x1000  }
0xfa: {  	[sflag:s30] =	ssyncset.done $0x0  }
0xfb: {  	[sflag:s30] =	ssyncadd.s32 $0xFFFFF000  }
0xfc: {  	_ =	swait.ge [sflag:s30], $0x1000  }
0xfd: {  	[sflag:s30] =	ssyncset.done $0x0  }
0xfe: {  	[sflag:s30] =	ssyncadd.s32 $0xFFFFF000  }
0xff: {  	_ =	swait.ge [sflag:s30], $0x1000  }
0x100: {  	[sflag:s30] =	ssyncset.done $0x0  }
0x101: {  	[sflag:s30] =	ssyncadd.s32 $0xFFFFF000  }
0x102: {  	_ =	swait.ge [sflag:s30], $0x1000  }
0x103: {  	[sflag:s30] =	ssyncset.done $0x0  }
0x104: {  	[sflag:s30] =	ssyncadd.s32 $0xFFFFF000  }
0x105: {  	_ =	swait.ge [sflag:s30], $0x1000  }
0x106: {  	[sflag:s30] =	ssyncset.done $0x0  }
0x107: {  	[sflag:s30] =	ssyncadd.s32 $0xFFFFF000  }
0x108: {  	_ =	swait.ge [sflag:s30], $0x1000  }
0x109: {  	[sflag:s30] =	ssyncset.done $0x0  }
0x10a: {  	[sflag:s30] =	ssyncadd.s32 $0xFFFFF000  }
0x10b: {  	p0 =	por $0x0, $0x0;
	_ =	swait.ge [sflag:s30], $0x1000  }
0x10c: {  	s1 =	simm.s32 @!p0 $0x4000;
	[sflag:s30] =	ssyncset.done $0x0  }
0x10d: {  	s2 =	simm.s32 @!p0 $0x80;
	s0 =	simm.s32 @!p0 $0xA800;
	[sflag:s30] =	ssyncadd.s32 $0xFFFFF000  }
0x10e: {  	[tilespmem:s0], [sflag:$0x1] =	stream.indirect.gather @!p0 [hbm4b:s4+s2], $0x20, s1, s2, $0xb8;
	[tilespmem:$0x1A800] =	vst v63  }
0x10f: {  	s0 =	simm.s32 @!p0 $0x4080;
	s1 =	simm.s32 @!p0 $0xB800  }
0x110: {  	[tilespmem:s1], [sflag:$0x1] =	stream.indirect.gather @!p0 [hbm4b:s4+s2], $0x20, s0, s2, $0xb8;
	[tilespmem:$0x1A800] =	vst v63  }
0x111: {  	s0 =	simm.s32 @!p0 $0x4100;
	s1 =	simm.s32 @!p0 $0xC800  }
0x112: {  	[tilespmem:s1], [sflag:$0x1] =	stream.indirect.gather @!p0 [hbm4b:s4+s2], $0x20, s0, s2, $0xb8;
	[tilespmem:$0x1A800] =	vst v63  }
0x113: {  	s0 =	simm.s32 @!p0 $0x4180;
	s1 =	simm.s32 @!p0 $0xD800  }
0x114: {  	[tilespmem:s1], [sflag:$0x1] =	stream.indirect.gather @!p0 [hbm4b:s4+s2], $0x20, s0, s2, $0xb8;
	[tilespmem:$0x1A800] =	vst v63  }
0x115: {  	s0 =	simm.s32 @!p0 $0x4200;
	s1 =	simm.s32 @!p0 $0xE800  }
0x116: {  	[tilespmem:s1], [sflag:$0x1] =	stream.indirect.gather @!p0 [hbm4b:s4+s2], $0x20, s0, s2, $0xb8;
	[tilespmem:$0x1A800] =	vst v63  }
0x117: {  	s0 =	simm.s32 @!p0 $0x4280;
	s1 =	simm.s32 @!p0 $0xF800  }
0x118: {  	[tilespmem:s1], [sflag:$0x1] =	stream.indirect.gather @!p0 [hbm4b:s4+s2], $0x20, s0, s2, $0xb8;
	[tilespmem:$0x1A800] =	vst v63  }
0x119: {  	s0 =	simm.s32 @!p0 $0x4300;
	s1 =	simm.s32 @!p0 $0x10800  }
0x11a: {  	[tilespmem:s1], [sflag:$0x1] =	stream.indirect.gather @!p0 [hbm4b:s4+s2], $0x20, s0, s2, $0xb8;
	[tilespmem:$0x1A800] =	vst v63  }
0x11b: {  	s16 =	rddreg [dreg:$0x4];
	s0 =	simm.s32 @!p0 $0x4380;
	s1 =	simm.s32 @!p0 $0x11800  }
0x11c: {  	[tilespmem:s1], [sflag:$0x1] =	stream.indirect.gather @!p0 [hbm4b:s4+s2], $0x20, s0, s2, $0xb8;
	[tilespmem:$0x1A800] =	vst v63  }
0x11d: {  	s17 =	sadd.s32 $0x0, s16  }
0x11e: {  	[hbm4b:s17+s3] =	stream.linear.scatter [tilespmem:s29], [sflag:$0x3], $0x8000, $0x38;
	[tilespmem:$0x1A800] =	vst v63  }
0x11f: {  	_ =	swait.ge [sflag:s8], $0x8000  }
0x120: {  	s1 =	simm.s32 $0x2000;
	[sflag:s8] =	ssyncset.done $0x0  }
.LBB2_6:
0x121: {  	[sflag:s8] =	ssyncadd.s32 $0xFFFF8000  }
0x122: {  	_ =	swait.ge [sflag:s11], $0x1000  }
0x123: {  	[sflag:s11] =	ssyncset.done $0x0  }
0x124: {  	[sflag:s11] =	ssyncadd.s32 $0xFFFFF000  }
0x125: {  	_ =	swait.ge [sflag:s11], $0x1000  }
0x126: {  	[sflag:s11] =	ssyncset.done $0x0  }
0x127: {  	[sflag:s11] =	ssyncadd.s32 $0xFFFFF000  }
0x128: {  	_ =	swait.ge [sflag:s11], $0x1000  }
0x129: {  	[sflag:s11] =	ssyncset.done $0x0  }
0x12a: {  	[sflag:s11] =	ssyncadd.s32 $0xFFFFF000  }
0x12b: {  	_ =	swait.ge [sflag:s11], $0x1000  }
0x12c: {  	[sflag:s11] =	ssyncset.done $0x0  }
0x12d: {  	[sflag:s11] =	ssyncadd.s32 $0xFFFFF000  }
0x12e: {  	_ =	swait.ge [sflag:s11], $0x1000  }
0x12f: {  	[sflag:s11] =	ssyncset.done $0x0  }
0x130: {  	[sflag:s11] =	ssyncadd.s32 $0xFFFFF000  }
0x131: {  	_ =	swait.ge [sflag:s11], $0x1000  }
0x132: {  	[sflag:s11] =	ssyncset.done $0x0  }
0x133: {  	[sflag:s11] =	ssyncadd.s32 $0xFFFFF000  }
0x134: {  	_ =	swait.ge [sflag:s11], $0x1000  }
0x135: {  	[sflag:s11] =	ssyncset.done $0x0  }
0x136: {  	[sflag:s11] =	ssyncadd.s32 $0xFFFFF000  }
0x137: {  	s0 =	smov.u32 s1;
	_ =	swait.ge [sflag:s11], $0x1000  }
0x138: {  	s2 =	sshra.s32 s0, $0x2;
	[sflag:s11] =	ssyncset.done $0x0  }
0x139: {  	s12 =	sadd.s32 $0x3C00, s2;
	s9 =	rddreg [dreg:$0x3];
	[sflag:s11] =	ssyncadd.s32 $0xFFFFF000  }
0x13a: {  	[tilespmem:s29], [sflag:$0x2] =	stream.indirect.gather [hbm4b:s4+s10], $0x20, s12, s10, $0xb8;
	[tilespmem:$0x1A800] =	vst v63  }
0x13b: {  	s16 =	sadd.s32 $0x3C80, s2;
	s14 =	rddreg [dreg:$0x5]  }
0x13c: {  	[tilespmem:s14], [sflag:$0x2] =	stream.indirect.gather [hbm4b:s4+s10], $0x20, s16, s10, $0xb8;
	[tilespmem:$0x1A800] =	vst v63  }
0x13d: {  	s17 =	sadd.s32 $0x3D00, s2;
	s15 =	rddreg [dreg:$0x6]  }
0x13e: {  	[tilespmem:s15], [sflag:$0x2] =	stream.indirect.gather [hbm4b:s4+s10], $0x20, s17, s10, $0xb8;
	[tilespmem:$0x1A800] =	vst v63  }
0x13f: {  	s14 =	rddreg [dreg:$0x7];
	s16 =	sadd.s32 $0x3D80, s2  }
0x140: {  	[tilespmem:s14], [sflag:$0x2] =	stream.indirect.gather [hbm4b:s4+s10], $0x20, s16, s10, $0xb8;
	[tilespmem:$0x1A800] =	vst v63  }
0x141: {  	s17 =	rddreg [dreg:$0x8];
	s14 =	sadd.s32 $0x3E00, s2  }
0x142: {  	[tilespmem:s17], [sflag:$0x2] =	stream.indirect.gather [hbm4b:s4+s10], $0x20, s14, s10, $0xb8;
	[tilespmem:$0x1A800] =	vst v63  }
0x143: {  	s16 =	rddreg [dreg:$0x9];
	s17 =	sadd.s32 $0x3E80, s2  }
0x144: {  	[tilespmem:s16], [sflag:$0x2] =	stream.indirect.gather [hbm4b:s4+s10], $0x20, s17, s10, $0xb8;
	[tilespmem:$0x1A800] =	vst v63  }
0x145: {  	s15 =	rddreg [dreg:$0xa];
	s16 =	sadd.s32 $0x3F00, s2  }
0x146: {  	[tilespmem:s15], [sflag:$0x2] =	stream.indirect.gather [hbm4b:s4+s10], $0x20, s16, s10, $0xb8;
	[tilespmem:$0x1A800] =	vst v63  }
0x147: {  	s17 =	rddreg [dreg:$0xb];
	s2 =	sadd.s32 $0x3F80, s2  }
0x148: {  	[tilespmem:s17], [sflag:$0x2] =	stream.indirect.gather [hbm4b:s4+s10], $0x20, s2, s10, $0xb8;
	[tilespmem:$0x1A800] =	vst v63  }
0x149: {  	s15 =	sadd.s32 s0, s9  }
0x14a: {  	[hbm4b:s15+s3] =	stream.linear.scatter [tilespmem:s13], [sflag:$0x3], $0x8000, $0x38;
	[tilespmem:$0x1A800] =	vst v63  }
0x14b: {  	_ =	swait.ge [sflag:s8], $0x8000  }
0x14c: {  	[sflag:s8] =	ssyncset.done $0x0  }
0x14d: {  	[sflag:s8] =	ssyncadd.s32 $0xFFFF8000  }
0x14e: {  	_ =	swait.ge [sflag:s30], $0x1000  }
0x14f: {  	[sflag:s30] =	ssyncset.done $0x0  }
0x150: {  	[sflag:s30] =	ssyncadd.s32 $0xFFFFF000  }
0x151: {  	_ =	swait.ge [sflag:s30], $0x1000  }
0x152: {  	[sflag:s30] =	ssyncset.done $0x0  }
0x153: {  	[sflag:s30] =	ssyncadd.s32 $0xFFFFF000  }
0x154: {  	_ =	swait.ge [sflag:s30], $0x1000  }
0x155: {  	[sflag:s30] =	ssyncset.done $0x0  }
0x156: {  	[sflag:s30] =	ssyncadd.s32 $0xFFFFF000  }
0x157: {  	_ =	swait.ge [sflag:s30], $0x1000  }
0x158: {  	[sflag:s30] =	ssyncset.done $0x0  }
0x159: {  	[sflag:s30] =	ssyncadd.s32 $0xFFFFF000  }
0x15a: {  	_ =	swait.ge [sflag:s30], $0x1000  }
0x15b: {  	[sflag:s30] =	ssyncset.done $0x0  }
0x15c: {  	[sflag:s30] =	ssyncadd.s32 $0xFFFFF000  }
0x15d: {  	_ =	swait.ge [sflag:s30], $0x1000  }
0x15e: {  	[sflag:s30] =	ssyncset.done $0x0  }
0x15f: {  	[sflag:s30] =	ssyncadd.s32 $0xFFFFF000  }
0x160: {  	_ =	swait.ge [sflag:s30], $0x1000  }
0x161: {  	[sflag:s30] =	ssyncset.done $0x0  }
0x162: {  	[sflag:s30] =	ssyncadd.s32 $0xFFFFF000  }
0x163: {  	p1 =	seq.s32 s0, $0xC000;
	_ =	swait.ge [sflag:s30], $0x1000  }
0x164: {  	s14 =	simm.s32 @!p1 $0x80;
	s2 =	sshra.s32 @!p1 s0, $0x2;
	[sflag:s30] =	ssyncset.done $0x0  }
0x165: {  	s9 =	simm.s32 @!p1 $0xA800;
	s12 =	sadd.s32 @!p1 $0x4000, s2;
	[sflag:s30] =	ssyncadd.s32 $0xFFFFF000  }
0x166: {  	[tilespmem:s9], [sflag:$0x1] =	stream.indirect.gather @!p1 [hbm4b:s4+s14], $0x20, s12, s14, $0xb8;
	[tilespmem:$0x1A800] =	vst v63  }
0x167: {  	s9 =	sadd.s32 @!p1 $0x4080, s2;
	s12 =	simm.s32 @!p1 $0xB800  }
0x168: {  	[tilespmem:s12], [sflag:$0x1] =	stream.indirect.gather @!p1 [hbm4b:s4+s14], $0x20, s9, s14, $0xb8;
	[tilespmem:$0x1A800] =	vst v63  }
0x169: {  	s15 =	sadd.s32 @!p1 $0x4100, s2;
	s9 =	simm.s32 @!p1 $0xC800  }
0x16a: {  	[tilespmem:s9], [sflag:$0x1] =	stream.indirect.gather @!p1 [hbm4b:s4+s14], $0x20, s15, s14, $0xb8;
	[tilespmem:$0x1A800] =	vst v63  }
0x16b: {  	s12 =	sadd.s32 @!p1 $0x4180, s2;
	s9 =	simm.s32 @!p1 $0xD800  }
0x16c: {  	[tilespmem:s9], [sflag:$0x1] =	stream.indirect.gather @!p1 [hbm4b:s4+s14], $0x20, s12, s14, $0xb8;
	[tilespmem:$0x1A800] =	vst v63  }
0x16d: {  	s16 =	sadd.s32 @!p1 $0x4200, s2;
	s9 =	simm.s32 @!p1 $0xE800  }
0x16e: {  	[tilespmem:s9], [sflag:$0x1] =	stream.indirect.gather @!p1 [hbm4b:s4+s14], $0x20, s16, s14, $0xb8;
	[tilespmem:$0x1A800] =	vst v63  }
0x16f: {  	s15 =	sadd.s32 @!p1 $0x4280, s2;
	s9 =	simm.s32 @!p1 $0xF800  }
0x170: {  	[tilespmem:s9], [sflag:$0x1] =	stream.indirect.gather @!p1 [hbm4b:s4+s14], $0x20, s15, s14, $0xb8;
	[tilespmem:$0x1A800] =	vst v63  }
0x171: {  	s1 =	sadd.s32 $0x2000, s1;
	s17 =	sadd.s32 @!p1 $0x4300, s2;
	s9 =	simm.s32 @!p1 $0x10800  }
0x172: {  	[tilespmem:s9], [sflag:$0x1] =	stream.indirect.gather @!p1 [hbm4b:s4+s14], $0x20, s17, s14, $0xb8;
	[tilespmem:$0x1A800] =	vst v63  }
0x173: {  	p0 =	sne.s32 s1, $0xE000;
	s2 =	sadd.s32 @!p1 $0x4380, s2;
	s9 =	simm.s32 @!p1 $0x11800  }
0x174: {  	[tilespmem:s9], [sflag:$0x1] =	stream.indirect.gather @!p1 [hbm4b:s4+s14], $0x20, s2, s14, $0xb8;
	[tilespmem:$0x1A800] =	vst v63  }
.Ltmp2:
0x175: {  	s16 =	rddreg [dreg:$0x4];
	(pc) =	sbr.rel @p0 .LBB2_6-.Ltmp2, $4  }
0x176: {  	s0 =	sadd.s32 s0, s16  }
0x177: {  	[hbm4b:s0+s3] =	stream.linear.scatter [tilespmem:s29], [sflag:$0x3], $0x8000, $0x38;
	[tilespmem:$0x1A800] =	vst v63  }
0x178: {  	_ =	swait.ge [sflag:s8], $0x8000  }
0x179: {  	[sflag:s8] =	ssyncset.done $0x0  }
0x17a: {  	s31 =	sadd.s32 $0x1, s31  }
0x17b: {  	p0 =	sne.s32 s31, s7  }
.Ltmp3:
0x17c: {  	_ = 	snop;
	(pc) =	sbr.rel @p0 .LBB2_1-.Ltmp3, $2  }
0x17d: {  	_ =	sdelay $0x2  }
0x17e: {  	[sflag:s8] =	ssyncadd.s32 $0xFFFF8000  }
0x17f: {  	_ =	sfence.sel $0x180000  }
0x180: {  	[bflag:$0x0] =	sbarrier.arrive $0xFFFF  }
0x181: {  	_ =	strace $0x90000047  }
0x182: {  	s0 =	stileid.u32;
	[bflag:$0x2] =	sbarrier.arrive $0xFFFF  }
0x183: {  	p0 =	sne.s32 s0, $0x0;
	s0 =	rddreg [dreg:$0x2]  }
0x184: {  	s0 =	sadd.s32 @!p0 $0x100000, s0  }
0x185: {  	[sflag:s0] =	ssyncadd.tile.s32 @!p0 $0x1;
	_ =	shalt  }
.Lfunc_end2:
_tile_overlayer_lowered:
.L_overlay_start_2:
0x186: {  	(tag) =	ssettag $0x2  }
0x187: {  	s0 =	rddreg [dreg:$0x0];
	s2 =	stileid.u32  }
0x188: {  	s1 =	rddreg [dreg:$0x1];
	p0 =	sne.s32 s2, $0x0  }
0x189: {  	s3 =	rddreg [dreg:$0x2];
	[bflag:$0x3] =	sbarrier.arrive $0xFFFF;
	s2 =	simm.s32 @!p0 $0x1C03  }
0x18a: {  	[timem:s3], [sflag:s2] =	dma.local @!p0 [hbm:s0], s1  }
0x18b: {  	s0 =	simm.s32 @!p0 $0x3  }
0x18c: {  	_ =	swait.ge @!p0 [sflag:s0], s1  }
0x18d: {  	s1 =	ssub.s32 @!p0 $0x0, s1;
	[sflag:s0] =	ssyncset.done @!p0 $0x0  }
0x18e: {  	[sflag:s0] =	ssyncadd.s32 @!p0 s1  }
0x18f: {  	[bflag:$0x3] =	sbarrier.arrive $0xFFFF  }
0x190: {  	_ =	shalt  }

</sc_bundles>
